<compile_context>
chip_gen: v7x
topology: tpu7x:2x2x1
jax: 0.10.2.dev20260603
libtpu: 0.0.44.dev20260713+nightly
codegen_flags: <defaults>
</compile_context>

<pallas_src>
import jax
import jax.numpy as jnp
from jax import lax
from jax.experimental import pallas as pl
from jax.experimental.pallas import tpu as pltpu
from jax.experimental.pallas import tpu_sc as plsc

_BATCH = 16384
_NC = 2
_NS = 16
_NW = _NC * _NS
_BPW = _BATCH // _NW
_CHUNK = 128
_CHUNKS = _BPW // _CHUNK
_GROUPS = _BPW // 16
_TILES = 782
_TW = 8


def _sc_body(idx_hbm, table_hbm, out_hbm, idx_v, klist, rows_v, out_v, sem):
    wid = lax.axis_index("s") * _NC + lax.axis_index("c")
    pltpu.sync_copy(idx_hbm.at[wid], idx_v)

    lanes = lax.iota(jnp.int32, 16)

    def rowcalc(m, carry):
        j, q = m >> 3, m & 7
        i = idx_v[j, pl.ds(q * 16, 16)]
        klist[j, pl.ds(q * 16, 16)] = ((i >> 7) << 7) | ((i >> 3) & 15)
        return carry

    lax.fori_loop(0, 8 * _CHUNKS, rowcalc, 0)

    descs = []
    for c in range(6):
        view = table_hbm.at[pl.ds(c * 16, (_TILES - 1) * _CHUNK + 16)]
        for j in range(_CHUNKS):
            d = pltpu.make_async_copy(
                view.at[klist.at[j]],
                rows_v.at[pl.ds((c * _CHUNKS + j) * _CHUNK, _CHUNK)],
                sem,
            )
            d.start()
            descs.append(d)
    for d in descs:
        d.wait()

    def group(g, carry):
        j = g >> 3
        sub = (g & 7) * 16
        e = idx_v[j, pl.ds(sub, 16)] & 7

        def col(c):
            row = (c * _CHUNKS + j) * _CHUNK + sub + lanes
            return plsc.load_gather(rows_v, [row, e])

        t0, t1, t2 = col(0), col(1), col(2)
        w0, w1, w2 = col(3), col(4), col(5)
        n = jnp.maximum(w0 * w0 + w1 * w1 + w2 * w2, 1e-4)
        f1 = 1.0 + n * (-1.0 / 6.0 + n * (1.0 / 120.0 + n * (-1.0 / 5040.0 + n * (1.0 / 362880.0))))
        f2 = 0.5 + n * (-1.0 / 24.0 + n * (1.0 / 720.0 + n * (-1.0 / 40320.0 + n * (1.0 / 3628800.0))))
        a0, a1, a2 = f1 * w0, f1 * w1, f1 * w2
        b01, b02, b12 = f2 * w0 * w1, f2 * w0 * w2, f2 * w1 * w2
        d0 = 1.0 + f2 * (w0 * w0 - n)
        d1 = 1.0 + f2 * (w1 * w1 - n)
        d2 = 1.0 + f2 * (w2 * w2 - n)
        vals = (d0, b01 - a2, b02 + a1, t0,
                b01 + a2, d1, b12 - a0, t1,
                b02 - a1, b12 + a0, d2, t2)
        base = (g >> 3) * 512 + (g & 7) * 16
        for k, v in enumerate(vals):
            r, c2 = k // 4, k % 4
            out_v[r, pl.ds(c2 * 128 + base, 16)] = v
        return carry

    lax.fori_loop(0, _GROUPS, group, 0)
    pltpu.sync_copy(out_v, out_hbm.at[:, pl.ds(wid * 16 * _CHUNK, 16 * _CHUNK)])


_sc_kernel = pl.kernel(
    _sc_body,
    out_type=jax.ShapeDtypeStruct((3, _BATCH * 4), jnp.float32),
    mesh=plsc.VectorSubcoreMesh(core_axis_name="c", subcore_axis_name="s"),
    compiler_params=pltpu.CompilerParams(
        needs_layout_passes=False, use_tc_tiling_on_sc=False),
    scratch_types=[
        pltpu.VMEM((_CHUNKS, _CHUNK), jnp.int32),
        pltpu.VMEM((_CHUNKS, _CHUNK), jnp.int32),
        pltpu.VMEM((6 * _CHUNKS * _CHUNK, _TW), jnp.float32),
        pltpu.VMEM((3, 16 * _CHUNK), jnp.float32),
        pltpu.SemaphoreType.DMA,
    ],
)


@jax.jit
def kernel(indices, pose_adjustment):
    idx = indices.astype(jnp.int32).reshape(_NW, _CHUNKS, _CHUNK)
    traw = jnp.pad(pose_adjustment.T, ((0, 2), (0, 96)))
    table = traw.reshape(_TW, _TILES, _CHUNK).transpose(1, 0, 2)
    table = table.reshape(_TILES * _CHUNK, _TW)
    out = _sc_kernel(idx, table)
    out4 = out.reshape(3, _BATCH // _CHUNK, 4, _CHUNK)
    return out4.transpose(1, 3, 0, 2).reshape(_BATCH, 3, 4)

# --- scband reference (transcript-rebuilt; emitter-appended) ---
"""Pipeline reference for scband-camera-optimizer-17197049053851 (READ-ONLY COPY).

The authoritative reference and input builder live on the scoring server;
editing this copy changes nothing except your own understanding.
"""

import jax, jax.numpy as jnp
import numpy as np

NUM_CAMERAS = 100000
BATCH = 16384


def exp_map_SO3xR3(tangent_vector):
    # tangent_vector: [N, 6]; first 3 = translation, last 3 = so(3) log-rotation
    log_rot = tangent_vector[:, 3:]
    nrms = jnp.sum(log_rot * log_rot, axis=1)
    rot_angles = jnp.sqrt(jnp.clip(nrms, 1e-4, None))
    rot_angles_inv = 1.0 / rot_angles
    fac1 = rot_angles_inv * jnp.sin(rot_angles)
    fac2 = rot_angles_inv * rot_angles_inv * (1.0 - jnp.cos(rot_angles))
    zeros = jnp.zeros_like(log_rot[:, 0])
    skews = jnp.stack([
        zeros, -log_rot[:, 2], log_rot[:, 1],
        log_rot[:, 2], zeros, -log_rot[:, 0],
        -log_rot[:, 1], log_rot[:, 0], zeros,
    ], axis=1).reshape(-1, 3, 3)
    skews_square = jnp.matmul(skews, skews)
    rot = (fac1[:, None, None] * skews
           + fac2[:, None, None] * skews_square
           + jnp.eye(3, dtype=tangent_vector.dtype)[None])
    trans = tangent_vector[:, :3][:, :, None]
    return jnp.concatenate([rot, trans], axis=2)  # [N, 3, 4]


def setup_inputs(seed: int = 0) -> dict:
    key = jax.random.key(seed)
    k1, k2 = jax.random.split(key)
    # camera indices for the current ray batch (int32 used; values < NUM_CAMERAS)
    indices = jax.random.randint(k1, (BATCH,), 0, NUM_CAMERAS)
    # learned parameter: initialized to zeros in the module, perturbed here so the
    # exp-map math is nontrivial
    pose_adjustment = jax.random.normal(k2, (NUM_CAMERAS, 6), dtype=jnp.float32) * 0.01
    return {"indices": indices, "pose_adjustment": pose_adjustment}


def reference(indices, pose_adjustment):
    # CameraOptimizer.forward, mode='SO3xR3', no non_trainable_camera_indices:
    # gather per-camera 6-dof tangent vectors, then SO3xR3 exponential map -> [B,3,4]
    gathered = jnp.take(pose_adjustment, indices, axis=0)
    return exp_map_SO3xR3(gathered)

if __name__ == "__main__":
    import jax
    _d = setup_inputs()
    print(jax.jit(kernel)(*tuple(_d.values())))

</pallas_src>

<mosaic_0001>
#map = affine_map<(d0, d1) -> (0, 0, 0)>
#map1 = affine_map<(d0, d1) -> (0, 0)>
module attributes {stable_mosaic.version = 14 : i64} {
  func.func @_sc_body(%arg0: i32, %arg1: i32, %arg2: memref<32x4x128xi32, #tpu.memory_space<hbm>>, %arg3: memref<100096x8xf32, #tpu.memory_space<hbm>>, %arg4: memref<3x65536xf32, #tpu.memory_space<hbm>>, %arg5: memref<4x128xi32, #tpu.memory_space<vmem>>, %arg6: memref<4x128xi32, #tpu.memory_space<vmem>>, %arg7: memref<3072x8xf32, #tpu.memory_space<vmem>>, %arg8: memref<3x2048xf32, #tpu.memory_space<vmem>>, %arg9: memref<!tpu.dma_semaphore, #tpu.memory_space<semaphore_mem>>) attributes {dimension_semantics = [#tpu.dimension_semantics<core_parallel>, #tpu.dimension_semantics<subcore_parallel>], iteration_bounds = array<i64: 2, 16>, scalar_prefetch = 0 : i64, scratch_operands = 5 : i64, tpu.core_type = #tpu.core_type<sc_vector_subcore>, window_params = [{transform_indices = #map}, {transform_indices = #map1}, {transform_indices = #map1}]} {
    %mul3A = arith.constant 2 : i32
    %mul3A_0 = arith.muli %arg1, %mul3A : i32
    %add3A = arith.addi %mul3A_0, %arg0 : i32
    "tpu.region"() ({
      %run_scoped3A = tpu.sem_alloc : memref<!tpu.dma_semaphore, #tpu.memory_space<semaphore_mem>>
      %dma_start3A_638 = arith.constant 0 : i32
      %dma_start3A_639 = arith.constant 0 : i32
      %dma_start3A_640 = tpu.memref_slice %arg2[%add3A, %dma_start3A_638, %dma_start3A_639] : memref<32x4x128xi32, #tpu.memory_space<hbm>> -> memref<1x4x128xi32, #tpu.memory_space<hbm>>
      %dma_start3A_641 = tpu.memref_squeeze %dma_start3A_640 : memref<1x4x128xi32, #tpu.memory_space<hbm>> -> memref<4x128xi32, #tpu.memory_space<hbm>>
      %dma_start3A_642 = arith.constant 0 : i32
      %dma_start3A_643 = arith.constant 0 : i32
      %dma_start3A_644 = tpu.memref_slice %arg2[%add3A, %dma_start3A_642, %dma_start3A_643] : memref<32x4x128xi32, #tpu.memory_space<hbm>> -> memref<1x4x128xi32, #tpu.memory_space<hbm>>
      %dma_start3A_645 = tpu.memref_squeeze %dma_start3A_644 : memref<1x4x128xi32, #tpu.memory_space<hbm>> -> memref<4x128xi32, #tpu.memory_space<hbm>>
      tpu.enqueue_dma source(%dma_start3A_645 : memref<4x128xi32, #tpu.memory_space<hbm>>) target(%arg5 : memref<4x128xi32, #tpu.memory_space<vmem>>) target_semaphore(%run_scoped3A : memref<!tpu.dma_semaphore, #tpu.memory_space<semaphore_mem>>)
      %dma_wait3A_646 = arith.constant 0 : i32
      %dma_wait3A_647 = arith.constant 0 : i32
      %dma_wait3A_648 = tpu.memref_slice %arg2[%add3A, %dma_wait3A_646, %dma_wait3A_647] : memref<32x4x128xi32, #tpu.memory_space<hbm>> -> memref<1x4x128xi32, #tpu.memory_space<hbm>>
      %dma_wait3A_649 = tpu.memref_squeeze %dma_wait3A_648 : memref<1x4x128xi32, #tpu.memory_space<hbm>> -> memref<4x128xi32, #tpu.memory_space<hbm>>
      %dma_wait3A_650 = arith.constant 0 : i32
      %dma_wait3A_651 = arith.constant 0 : i32
      %dma_wait3A_652 = tpu.memref_slice %arg2[%add3A, %dma_wait3A_650, %dma_wait3A_651] : memref<32x4x128xi32, #tpu.memory_space<hbm>> -> memref<1x4x128xi32, #tpu.memory_space<hbm>>
      %dma_wait3A_653 = tpu.memref_squeeze %dma_wait3A_652 : memref<1x4x128xi32, #tpu.memory_space<hbm>> -> memref<4x128xi32, #tpu.memory_space<hbm>>
      tpu.wait_dma2 semaphore(%run_scoped3A : memref<!tpu.dma_semaphore, #tpu.memory_space<semaphore_mem>>) src(%dma_wait3A_653 : memref<4x128xi32, #tpu.memory_space<hbm>>) dst(%arg5 : memref<4x128xi32, #tpu.memory_space<vmem>>)
      tpu.yield
    }) : () -> ()
    %iota3A = tpu.iota {dimensions = array<i32: 0>} : vector<16xi32>
    %scan3A = arith.constant 0 : i32
    %scan3A_1 = arith.constant 0 : i32
    %scan3A_2 = arith.constant 32 : i32
    %scan3A_3 = arith.addi %scan3A_1, %scan3A_2 : i32
    %scan3A_4 = arith.constant 1 : i32
    scf.for %scan3A_638 = %scan3A_1 to %scan3A_3 step %scan3A_4  : i32 {
      %shift_right_arithmetic3A = arith.constant 3 : i32
      %shift_right_arithmetic3A_639 = arith.shrsi %scan3A_638, %shift_right_arithmetic3A : i32
      %and3A = arith.constant 7 : i32
      %and3A_640 = arith.andi %scan3A_638, %and3A : i32
      %mul3A_641 = arith.constant 16 : i32
      %mul3A_642 = arith.muli %and3A_640, %mul3A_641 : i32
      %get3A = arith.index_cast %shift_right_arithmetic3A_639 : i32 to index
      %get3A_643 = arith.index_cast %mul3A_642 : i32 to index
      %get3A_644 = tpu.vector_load %arg5[%get3A, %get3A_643] {strides = array<i32>} : memref<4x128xi32, #tpu.memory_space<vmem>>, vector<16xi32>,
      %shift_right_arithmetic3A_645 = arith.constant 7 : i32
      %shift_right_arithmetic3A_646 = vector.broadcast %shift_right_arithmetic3A_645 : i32 to vector<16xi32>
      %shift_right_arithmetic3A_647 = arith.shrsi %get3A_644, %shift_right_arithmetic3A_646 : vector<16xi32>
      %shift_left3A = arith.constant 7 : i32
      %shift_left3A_648 = vector.broadcast %shift_left3A : i32 to vector<16xi32>
      %shift_left3A_649 = arith.shli %shift_right_arithmetic3A_647, %shift_left3A_648 : vector<16xi32>
      %shift_right_arithmetic3A_650 = arith.constant 3 : i32
      %shift_right_arithmetic3A_651 = vector.broadcast %shift_right_arithmetic3A_650 : i32 to vector<16xi32>
      %shift_right_arithmetic3A_652 = arith.shrsi %get3A_644, %shift_right_arithmetic3A_651 : vector<16xi32>
      %and3A_653 = arith.constant 15 : i32
      %and3A_654 = vector.broadcast %and3A_653 : i32 to vector<16xi32>
      %and3A_655 = arith.andi %shift_right_arithmetic3A_652, %and3A_654 : vector<16xi32>
      %or3A = arith.ori %shift_left3A_649, %and3A_655 : vector<16xi32>
      %mul3A_656 = arith.constant 16 : i32
      %mul3A_657 = arith.muli %and3A_640, %mul3A_656 : i32
      %swap3A = arith.index_cast %shift_right_arithmetic3A_639 : i32 to index
      %swap3A_658 = arith.index_cast %mul3A_657 : i32 to index
      %swap3A_659 = tpu.vector_load %arg6[%swap3A, %swap3A_658] {strides = array<i32>} : memref<4x128xi32, #tpu.memory_space<vmem>>, vector<16xi32>,
      tpu.vector_store %arg6[%swap3A, %swap3A_658], %or3A {strides = array<i32>} : memref<4x128xi32, #tpu.memory_space<vmem>>, vector<16xi32>,
    }
    %scan3A_5 = arith.constant 32 : i32
    %dma_start3A = arith.constant 0 : i32
    %dma_start3A_6 = arith.constant 0 : i32
    %dma_start3A_7 = arith.constant 0 : i32
    %dma_start3A_8 = tpu.memref_slice %arg7[%dma_start3A_6, %dma_start3A_7] : memref<3072x8xf32, #tpu.memory_space<vmem>> -> memref<128x8xf32, #tpu.memory_space<vmem>>
    %dma_start3A_9 = arith.constant 0 : i32
    %dma_start3A_10 = tpu.memref_slice %arg6[%dma_start3A, %dma_start3A_9] : memref<4x128xi32, #tpu.memory_space<vmem>> -> memref<1x128xi32, #tpu.memory_space<vmem>>
    %dma_start3A_11 = tpu.memref_squeeze %dma_start3A_10 : memref<1x128xi32, #tpu.memory_space<vmem>> -> memref<128xi32, #tpu.memory_space<vmem>>
    %dma_start3A_12 = arith.constant 0 : i32
    %dma_start3A_13 = arith.constant 0 : i32
    %dma_start3A_14 = tpu.memref_slice %arg3[%dma_start3A_12, %dma_start3A_13] : memref<100096x8xf32, #tpu.memory_space<hbm>> -> memref<99984x8xf32, #tpu.memory_space<hbm>>
    %dma_start3A_15 = arith.constant 0 : i32
    %dma_start3A_16 = arith.constant 0 : i32
    %dma_start3A_17 = tpu.memref_slice %dma_start3A_14[%dma_start3A_15, %dma_start3A_16] : memref<99984x8xf32, #tpu.memory_space<hbm>> -> memref<99984x8xf32, #tpu.memory_space<hbm>>
    tpu.enqueue_indirect_dma source(%dma_start3A_17 : memref<99984x8xf32, #tpu.memory_space<hbm>>) target(%dma_start3A_8 : memref<128x8xf32, #tpu.memory_space<vmem>>) offsets(%dma_start3A_11 : memref<128xi32, #tpu.memory_space<vmem>>) semaphore(%arg9 : memref<!tpu.dma_semaphore, #tpu.memory_space<semaphore_mem>>)
    %dma_start3A_18 = arith.constant 1 : i32
    %dma_start3A_19 = arith.constant 128 : i32
    %dma_start3A_20 = arith.constant 0 : i32
    %dma_start3A_21 = tpu.memref_slice %arg7[%dma_start3A_19, %dma_start3A_20] : memref<3072x8xf32, #tpu.memory_space<vmem>> -> memref<128x8xf32, #tpu.memory_space<vmem>>
    %dma_start3A_22 = arith.constant 0 : i32
    %dma_start3A_23 = tpu.memref_slice %arg6[%dma_start3A_18, %dma_start3A_22] : memref<4x128xi32, #tpu.memory_space<vmem>> -> memref<1x128xi32, #tpu.memory_space<vmem>>
    %dma_start3A_24 = tpu.memref_squeeze %dma_start3A_23 : memref<1x128xi32, #tpu.memory_space<vmem>> -> memref<128xi32, #tpu.memory_space<vmem>>
    %dma_start3A_25 = arith.constant 0 : i32
    %dma_start3A_26 = arith.constant 0 : i32
    %dma_start3A_27 = tpu.memref_slice %arg3[%dma_start3A_25, %dma_start3A_26] : memref<100096x8xf32, #tpu.memory_space<hbm>> -> memref<99984x8xf32, #tpu.memory_space<hbm>>
    %dma_start3A_28 = arith.constant 0 : i32
    %dma_start3A_29 = arith.constant 0 : i32
    %dma_start3A_30 = tpu.memref_slice %dma_start3A_27[%dma_start3A_28, %dma_start3A_29] : memref<99984x8xf32, #tpu.memory_space<hbm>> -> memref<99984x8xf32, #tpu.memory_space<hbm>>
    tpu.enqueue_indirect_dma source(%dma_start3A_30 : memref<99984x8xf32, #tpu.memory_space<hbm>>) target(%dma_start3A_21 : memref<128x8xf32, #tpu.memory_space<vmem>>) offsets(%dma_start3A_24 : memref<128xi32, #tpu.memory_space<vmem>>) semaphore(%arg9 : memref<!tpu.dma_semaphore, #tpu.memory_space<semaphore_mem>>)
    %dma_start3A_31 = arith.constant 2 : i32
    %dma_start3A_32 = arith.constant 256 : i32
    %dma_start3A_33 = arith.constant 0 : i32
    %dma_start3A_34 = tpu.memref_slice %arg7[%dma_start3A_32, %dma_start3A_33] : memref<3072x8xf32, #tpu.memory_space<vmem>> -> memref<128x8xf32, #tpu.memory_space<vmem>>
    %dma_start3A_35 = arith.constant 0 : i32
    %dma_start3A_36 = tpu.memref_slice %arg6[%dma_start3A_31, %dma_start3A_35] : memref<4x128xi32, #tpu.memory_space<vmem>> -> memref<1x128xi32, #tpu.memory_space<vmem>>
    %dma_start3A_37 = tpu.memref_squeeze %dma_start3A_36 : memref<1x128xi32, #tpu.memory_space<vmem>> -> memref<128xi32, #tpu.memory_space<vmem>>
    %dma_start3A_38 = arith.constant 0 : i32
    %dma_start3A_39 = arith.constant 0 : i32
    %dma_start3A_40 = tpu.memref_slice %arg3[%dma_start3A_38, %dma_start3A_39] : memref<100096x8xf32, #tpu.memory_space<hbm>> -> memref<99984x8xf32, #tpu.memory_space<hbm>>
    %dma_start3A_41 = arith.constant 0 : i32
    %dma_start3A_42 = arith.constant 0 : i32
    %dma_start3A_43 = tpu.memref_slice %dma_start3A_40[%dma_start3A_41, %dma_start3A_42] : memref<99984x8xf32, #tpu.memory_space<hbm>> -> memref<99984x8xf32, #tpu.memory_space<hbm>>
    tpu.enqueue_indirect_dma source(%dma_start3A_43 : memref<99984x8xf32, #tpu.memory_space<hbm>>) target(%dma_start3A_34 : memref<128x8xf32, #tpu.memory_space<vmem>>) offsets(%dma_start3A_37 : memref<128xi32, #tpu.memory_space<vmem>>) semaphore(%arg9 : memref<!tpu.dma_semaphore, #tpu.memory_space<semaphore_mem>>)
    %dma_start3A_44 = arith.constant 3 : i32
    %dma_start3A_45 = arith.constant 384 : i32
    %dma_start3A_46 = arith.constant 0 : i32
    %dma_start3A_47 = tpu.memref_slice %arg7[%dma_start3A_45, %dma_start3A_46] : memref<3072x8xf32, #tpu.memory_space<vmem>> -> memref<128x8xf32, #tpu.memory_space<vmem>>
    %dma_start3A_48 = arith.constant 0 : i32
    %dma_start3A_49 = tpu.memref_slice %arg6[%dma_start3A_44, %dma_start3A_48] : memref<4x128xi32, #tpu.memory_space<vmem>> -> memref<1x128xi32, #tpu.memory_space<vmem>>
    %dma_start3A_50 = tpu.memref_squeeze %dma_start3A_49 : memref<1x128xi32, #tpu.memory_space<vmem>> -> memref<128xi32, #tpu.memory_space<vmem>>
    %dma_start3A_51 = arith.constant 0 : i32
    %dma_start3A_52 = arith.constant 0 : i32
    %dma_start3A_53 = tpu.memref_slice %arg3[%dma_start3A_51, %dma_start3A_52] : memref<100096x8xf32, #tpu.memory_space<hbm>> -> memref<99984x8xf32, #tpu.memory_space<hbm>>
    %dma_start3A_54 = arith.constant 0 : i32
    %dma_start3A_55 = arith.constant 0 : i32
    %dma_start3A_56 = tpu.memref_slice %dma_start3A_53[%dma_start3A_54, %dma_start3A_55] : memref<99984x8xf32, #tpu.memory_space<hbm>> -> memref<99984x8xf32, #tpu.memory_space<hbm>>
    tpu.enqueue_indirect_dma source(%dma_start3A_56 : memref<99984x8xf32, #tpu.memory_space<hbm>>) target(%dma_start3A_47 : memref<128x8xf32, #tpu.memory_space<vmem>>) offsets(%dma_start3A_50 : memref<128xi32, #tpu.memory_space<vmem>>) semaphore(%arg9 : memref<!tpu.dma_semaphore, #tpu.memory_space<semaphore_mem>>)
    %dma_start3A_57 = arith.constant 0 : i32
    %dma_start3A_58 = arith.constant 512 : i32
    %dma_start3A_59 = arith.constant 0 : i32
    %dma_start3A_60 = tpu.memref_slice %arg7[%dma_start3A_58, %dma_start3A_59] : memref<3072x8xf32, #tpu.memory_space<vmem>> -> memref<128x8xf32, #tpu.memory_space<vmem>>
    %dma_start3A_61 = arith.constant 0 : i32
    %dma_start3A_62 = tpu.memref_slice %arg6[%dma_start3A_57, %dma_start3A_61] : memref<4x128xi32, #tpu.memory_space<vmem>> -> memref<1x128xi32, #tpu.memory_space<vmem>>
    %dma_start3A_63 = tpu.memref_squeeze %dma_start3A_62 : memref<1x128xi32, #tpu.memory_space<vmem>> -> memref<128xi32, #tpu.memory_space<vmem>>
    %dma_start3A_64 = arith.constant 16 : i32
    %dma_start3A_65 = arith.constant 0 : i32
    %dma_start3A_66 = tpu.memref_slice %arg3[%dma_start3A_64, %dma_start3A_65] : memref<100096x8xf32, #tpu.memory_space<hbm>> -> memref<99984x8xf32, #tpu.memory_space<hbm>>
    %dma_start3A_67 = arith.constant 0 : i32
    %dma_start3A_68 = arith.constant 0 : i32
    %dma_start3A_69 = tpu.memref_slice %dma_start3A_66[%dma_start3A_67, %dma_start3A_68] : memref<99984x8xf32, #tpu.memory_space<hbm>> -> memref<99984x8xf32, #tpu.memory_space<hbm>>
    tpu.enqueue_indirect_dma source(%dma_start3A_69 : memref<99984x8xf32, #tpu.memory_space<hbm>>) target(%dma_start3A_60 : memref<128x8xf32, #tpu.memory_space<vmem>>) offsets(%dma_start3A_63 : memref<128xi32, #tpu.memory_space<vmem>>) semaphore(%arg9 : memref<!tpu.dma_semaphore, #tpu.memory_space<semaphore_mem>>)
    %dma_start3A_70 = arith.constant 1 : i32
    %dma_start3A_71 = arith.constant 640 : i32
    %dma_start3A_72 = arith.constant 0 : i32
    %dma_start3A_73 = tpu.memref_slice %arg7[%dma_start3A_71, %dma_start3A_72] : memref<3072x8xf32, #tpu.memory_space<vmem>> -> memref<128x8xf32, #tpu.memory_space<vmem>>
    %dma_start3A_74 = arith.constant 0 : i32
    %dma_start3A_75 = tpu.memref_slice %arg6[%dma_start3A_70, %dma_start3A_74] : memref<4x128xi32, #tpu.memory_space<vmem>> -> memref<1x128xi32, #tpu.memory_space<vmem>>
    %dma_start3A_76 = tpu.memref_squeeze %dma_start3A_75 : memref<1x128xi32, #tpu.memory_space<vmem>> -> memref<128xi32, #tpu.memory_space<vmem>>
    %dma_start3A_77 = arith.constant 16 : i32
    %dma_start3A_78 = arith.constant 0 : i32
    %dma_start3A_79 = tpu.memref_slice %arg3[%dma_start3A_77, %dma_start3A_78] : memref<100096x8xf32, #tpu.memory_space<hbm>> -> memref<99984x8xf32, #tpu.memory_space<hbm>>
    %dma_start3A_80 = arith.constant 0 : i32
    %dma_start3A_81 = arith.constant 0 : i32
    %dma_start3A_82 = tpu.memref_slice %dma_start3A_79[%dma_start3A_80, %dma_start3A_81] : memref<99984x8xf32, #tpu.memory_space<hbm>> -> memref<99984x8xf32, #tpu.memory_space<hbm>>
    tpu.enqueue_indirect_dma source(%dma_start3A_82 : memref<99984x8xf32, #tpu.memory_space<hbm>>) target(%dma_start3A_73 : memref<128x8xf32, #tpu.memory_space<vmem>>) offsets(%dma_start3A_76 : memref<128xi32, #tpu.memory_space<vmem>>) semaphore(%arg9 : memref<!tpu.dma_semaphore, #tpu.memory_space<semaphore_mem>>)
    %dma_start3A_83 = arith.constant 2 : i32
    %dma_start3A_84 = arith.constant 768 : i32
    %dma_start3A_85 = arith.constant 0 : i32
    %dma_start3A_86 = tpu.memref_slice %arg7[%dma_start3A_84, %dma_start3A_85] : memref<3072x8xf32, #tpu.memory_space<vmem>> -> memref<128x8xf32, #tpu.memory_space<vmem>>
    %dma_start3A_87 = arith.constant 0 : i32
    %dma_start3A_88 = tpu.memref_slice %arg6[%dma_start3A_83, %dma_start3A_87] : memref<4x128xi32, #tpu.memory_space<vmem>> -> memref<1x128xi32, #tpu.memory_space<vmem>>
    %dma_start3A_89 = tpu.memref_squeeze %dma_start3A_88 : memref<1x128xi32, #tpu.memory_space<vmem>> -> memref<128xi32, #tpu.memory_space<vmem>>
    %dma_start3A_90 = arith.constant 16 : i32
    %dma_start3A_91 = arith.constant 0 : i32
    %dma_start3A_92 = tpu.memref_slice %arg3[%dma_start3A_90, %dma_start3A_91] : memref<100096x8xf32, #tpu.memory_space<hbm>> -> memref<99984x8xf32, #tpu.memory_space<hbm>>
    %dma_start3A_93 = arith.constant 0 : i32
    %dma_start3A_94 = arith.constant 0 : i32
    %dma_start3A_95 = tpu.memref_slice %dma_start3A_92[%dma_start3A_93, %dma_start3A_94] : memref<99984x8xf32, #tpu.memory_space<hbm>> -> memref<99984x8xf32, #tpu.memory_space<hbm>>
    tpu.enqueue_indirect_dma source(%dma_start3A_95 : memref<99984x8xf32, #tpu.memory_space<hbm>>) target(%dma_start3A_86 : memref<128x8xf32, #tpu.memory_space<vmem>>) offsets(%dma_start3A_89 : memref<128xi32, #tpu.memory_space<vmem>>) semaphore(%arg9 : memref<!tpu.dma_semaphore, #tpu.memory_space<semaphore_mem>>)
    %dma_start3A_96 = arith.constant 3 : i32
    %dma_start3A_97 = arith.constant 896 : i32
    %dma_start3A_98 = arith.constant 0 : i32
    %dma_start3A_99 = tpu.memref_slice %arg7[%dma_start3A_97, %dma_start3A_98] : memref<3072x8xf32, #tpu.memory_space<vmem>> -> memref<128x8xf32, #tpu.memory_space<vmem>>
    %dma_start3A_100 = arith.constant 0 : i32
    %dma_start3A_101 = tpu.memref_slice %arg6[%dma_start3A_96, %dma_start3A_100] : memref<4x128xi32, #tpu.memory_space<vmem>> -> memref<1x128xi32, #tpu.memory_space<vmem>>
    %dma_start3A_102 = tpu.memref_squeeze %dma_start3A_101 : memref<1x128xi32, #tpu.memory_space<vmem>> -> memref<128xi32, #tpu.memory_space<vmem>>
    %dma_start3A_103 = arith.constant 16 : i32
    %dma_start3A_104 = arith.constant 0 : i32
    %dma_start3A_105 = tpu.memref_slice %arg3[%dma_start3A_103, %dma_start3A_104] : memref<100096x8xf32, #tpu.memory_space<hbm>> -> memref<99984x8xf32, #tpu.memory_space<hbm>>
    %dma_start3A_106 = arith.constant 0 : i32
    %dma_start3A_107 = arith.constant 0 : i32
    %dma_start3A_108 = tpu.memref_slice %dma_start3A_105[%dma_start3A_106, %dma_start3A_107] : memref<99984x8xf32, #tpu.memory_space<hbm>> -> memref<99984x8xf32, #tpu.memory_space<hbm>>
    tpu.enqueue_indirect_dma source(%dma_start3A_108 : memref<99984x8xf32, #tpu.memory_space<hbm>>) target(%dma_start3A_99 : memref<128x8xf32, #tpu.memory_space<vmem>>) offsets(%dma_start3A_102 : memref<128xi32, #tpu.memory_space<vmem>>) semaphore(%arg9 : memref<!tpu.dma_semaphore, #tpu.memory_space<semaphore_mem>>)
    %dma_start3A_109 = arith.constant 0 : i32
    %dma_start3A_110 = arith.constant 1024 : i32
    %dma_start3A_111 = arith.constant 0 : i32
    %dma_start3A_112 = tpu.memref_slice %arg7[%dma_start3A_110, %dma_start3A_111] : memref<3072x8xf32, #tpu.memory_space<vmem>> -> memref<128x8xf32, #tpu.memory_space<vmem>>
    %dma_start3A_113 = arith.constant 0 : i32
    %dma_start3A_114 = tpu.memref_slice %arg6[%dma_start3A_109, %dma_start3A_113] : memref<4x128xi32, #tpu.memory_space<vmem>> -> memref<1x128xi32, #tpu.memory_space<vmem>>
    %dma_start3A_115 = tpu.memref_squeeze %dma_start3A_114 : memref<1x128xi32, #tpu.memory_space<vmem>> -> memref<128xi32, #tpu.memory_space<vmem>>
    %dma_start3A_116 = arith.constant 32 : i32
    %dma_start3A_117 = arith.constant 0 : i32
    %dma_start3A_118 = tpu.memref_slice %arg3[%dma_start3A_116, %dma_start3A_117] : memref<100096x8xf32, #tpu.memory_space<hbm>> -> memref<99984x8xf32, #tpu.memory_space<hbm>>
    %dma_start3A_119 = arith.constant 0 : i32
    %dma_start3A_120 = arith.constant 0 : i32
    %dma_start3A_121 = tpu.memref_slice %dma_start3A_118[%dma_start3A_119, %dma_start3A_120] : memref<99984x8xf32, #tpu.memory_space<hbm>> -> memref<99984x8xf32, #tpu.memory_space<hbm>>
    tpu.enqueue_indirect_dma source(%dma_start3A_121 : memref<99984x8xf32, #tpu.memory_space<hbm>>) target(%dma_start3A_112 : memref<128x8xf32, #tpu.memory_space<vmem>>) offsets(%dma_start3A_115 : memref<128xi32, #tpu.memory_space<vmem>>) semaphore(%arg9 : memref<!tpu.dma_semaphore, #tpu.memory_space<semaphore_mem>>)
    %dma_start3A_122 = arith.constant 1 : i32
    %dma_start3A_123 = arith.constant 1152 : i32
    %dma_start3A_124 = arith.constant 0 : i32
    %dma_start3A_125 = tpu.memref_slice %arg7[%dma_start3A_123, %dma_start3A_124] : memref<3072x8xf32, #tpu.memory_space<vmem>> -> memref<128x8xf32, #tpu.memory_space<vmem>>
    %dma_start3A_126 = arith.constant 0 : i32
    %dma_start3A_127 = tpu.memref_slice %arg6[%dma_start3A_122, %dma_start3A_126] : memref<4x128xi32, #tpu.memory_space<vmem>> -> memref<1x128xi32, #tpu.memory_space<vmem>>
    %dma_start3A_128 = tpu.memref_squeeze %dma_start3A_127 : memref<1x128xi32, #tpu.memory_space<vmem>> -> memref<128xi32, #tpu.memory_space<vmem>>
    %dma_start3A_129 = arith.constant 32 : i32
    %dma_start3A_130 = arith.constant 0 : i32
    %dma_start3A_131 = tpu.memref_slice %arg3[%dma_start3A_129, %dma_start3A_130] : memref<100096x8xf32, #tpu.memory_space<hbm>> -> memref<99984x8xf32, #tpu.memory_space<hbm>>
    %dma_start3A_132 = arith.constant 0 : i32
    %dma_start3A_133 = arith.constant 0 : i32
    %dma_start3A_134 = tpu.memref_slice %dma_start3A_131[%dma_start3A_132, %dma_start3A_133] : memref<99984x8xf32, #tpu.memory_space<hbm>> -> memref<99984x8xf32, #tpu.memory_space<hbm>>
    tpu.enqueue_indirect_dma source(%dma_start3A_134 : memref<99984x8xf32, #tpu.memory_space<hbm>>) target(%dma_start3A_125 : memref<128x8xf32, #tpu.memory_space<vmem>>) offsets(%dma_start3A_128 : memref<128xi32, #tpu.memory_space<vmem>>) semaphore(%arg9 : memref<!tpu.dma_semaphore, #tpu.memory_space<semaphore_mem>>)
    %dma_start3A_135 = arith.constant 2 : i32
    %dma_start3A_136 = arith.constant 1280 : i32
    %dma_start3A_137 = arith.constant 0 : i32
    %dma_start3A_138 = tpu.memref_slice %arg7[%dma_start3A_136, %dma_start3A_137] : memref<3072x8xf32, #tpu.memory_space<vmem>> -> memref<128x8xf32, #tpu.memory_space<vmem>>
    %dma_start3A_139 = arith.constant 0 : i32
    %dma_start3A_140 = tpu.memref_slice %arg6[%dma_start3A_135, %dma_start3A_139] : memref<4x128xi32, #tpu.memory_space<vmem>> -> memref<1x128xi32, #tpu.memory_space<vmem>>
    %dma_start3A_141 = tpu.memref_squeeze %dma_start3A_140 : memref<1x128xi32, #tpu.memory_space<vmem>> -> memref<128xi32, #tpu.memory_space<vmem>>
    %dma_start3A_142 = arith.constant 32 : i32
    %dma_start3A_143 = arith.constant 0 : i32
    %dma_start3A_144 = tpu.memref_slice %arg3[%dma_start3A_142, %dma_start3A_143] : memref<100096x8xf32, #tpu.memory_space<hbm>> -> memref<99984x8xf32, #tpu.memory_space<hbm>>
    %dma_start3A_145 = arith.constant 0 : i32
    %dma_start3A_146 = arith.constant 0 : i32
    %dma_start3A_147 = tpu.memref_slice %dma_start3A_144[%dma_start3A_145, %dma_start3A_146] : memref<99984x8xf32, #tpu.memory_space<hbm>> -> memref<99984x8xf32, #tpu.memory_space<hbm>>
    tpu.enqueue_indirect_dma source(%dma_start3A_147 : memref<99984x8xf32, #tpu.memory_space<hbm>>) target(%dma_start3A_138 : memref<128x8xf32, #tpu.memory_space<vmem>>) offsets(%dma_start3A_141 : memref<128xi32, #tpu.memory_space<vmem>>) semaphore(%arg9 : memref<!tpu.dma_semaphore, #tpu.memory_space<semaphore_mem>>)
    %dma_start3A_148 = arith.constant 3 : i32
    %dma_start3A_149 = arith.constant 1408 : i32
    %dma_start3A_150 = arith.constant 0 : i32
    %dma_start3A_151 = tpu.memref_slice %arg7[%dma_start3A_149, %dma_start3A_150] : memref<3072x8xf32, #tpu.memory_space<vmem>> -> memref<128x8xf32, #tpu.memory_space<vmem>>
    %dma_start3A_152 = arith.constant 0 : i32
    %dma_start3A_153 = tpu.memref_slice %arg6[%dma_start3A_148, %dma_start3A_152] : memref<4x128xi32, #tpu.memory_space<vmem>> -> memref<1x128xi32, #tpu.memory_space<vmem>>
    %dma_start3A_154 = tpu.memref_squeeze %dma_start3A_153 : memref<1x128xi32, #tpu.memory_space<vmem>> -> memref<128xi32, #tpu.memory_space<vmem>>
    %dma_start3A_155 = arith.constant 32 : i32
    %dma_start3A_156 = arith.constant 0 : i32
    %dma_start3A_157 = tpu.memref_slice %arg3[%dma_start3A_155, %dma_start3A_156] : memref<100096x8xf32, #tpu.memory_space<hbm>> -> memref<99984x8xf32, #tpu.memory_space<hbm>>
    %dma_start3A_158 = arith.constant 0 : i32
    %dma_start3A_159 = arith.constant 0 : i32
    %dma_start3A_160 = tpu.memref_slice %dma_start3A_157[%dma_start3A_158, %dma_start3A_159] : memref<99984x8xf32, #tpu.memory_space<hbm>> -> memref<99984x8xf32, #tpu.memory_space<hbm>>
    tpu.enqueue_indirect_dma source(%dma_start3A_160 : memref<99984x8xf32, #tpu.memory_space<hbm>>) target(%dma_start3A_151 : memref<128x8xf32, #tpu.memory_space<vmem>>) offsets(%dma_start3A_154 : memref<128xi32, #tpu.memory_space<vmem>>) semaphore(%arg9 : memref<!tpu.dma_semaphore, #tpu.memory_space<semaphore_mem>>)
    %dma_start3A_161 = arith.constant 0 : i32
    %dma_start3A_162 = arith.constant 1536 : i32
    %dma_start3A_163 = arith.constant 0 : i32
    %dma_start3A_164 = tpu.memref_slice %arg7[%dma_start3A_162, %dma_start3A_163] : memref<3072x8xf32, #tpu.memory_space<vmem>> -> memref<128x8xf32, #tpu.memory_space<vmem>>
    %dma_start3A_165 = arith.constant 0 : i32
    %dma_start3A_166 = tpu.memref_slice %arg6[%dma_start3A_161, %dma_start3A_165] : memref<4x128xi32, #tpu.memory_space<vmem>> -> memref<1x128xi32, #tpu.memory_space<vmem>>
    %dma_start3A_167 = tpu.memref_squeeze %dma_start3A_166 : memref<1x128xi32, #tpu.memory_space<vmem>> -> memref<128xi32, #tpu.memory_space<vmem>>
    %dma_start3A_168 = arith.constant 48 : i32
    %dma_start3A_169 = arith.constant 0 : i32
    %dma_start3A_170 = tpu.memref_slice %arg3[%dma_start3A_168, %dma_start3A_169] : memref<100096x8xf32, #tpu.memory_space<hbm>> -> memref<99984x8xf32, #tpu.memory_space<hbm>>
    %dma_start3A_171 = arith.constant 0 : i32
    %dma_start3A_172 = arith.constant 0 : i32
    %dma_start3A_173 = tpu.memref_slice %dma_start3A_170[%dma_start3A_171, %dma_start3A_172] : memref<99984x8xf32, #tpu.memory_space<hbm>> -> memref<99984x8xf32, #tpu.memory_space<hbm>>
    tpu.enqueue_indirect_dma source(%dma_start3A_173 : memref<99984x8xf32, #tpu.memory_space<hbm>>) target(%dma_start3A_164 : memref<128x8xf32, #tpu.memory_space<vmem>>) offsets(%dma_start3A_167 : memref<128xi32, #tpu.memory_space<vmem>>) semaphore(%arg9 : memref<!tpu.dma_semaphore, #tpu.memory_space<semaphore_mem>>)
    %dma_start3A_174 = arith.constant 1 : i32
    %dma_start3A_175 = arith.constant 1664 : i32
    %dma_start3A_176 = arith.constant 0 : i32
    %dma_start3A_177 = tpu.memref_slice %arg7[%dma_start3A_175, %dma_start3A_176] : memref<3072x8xf32, #tpu.memory_space<vmem>> -> memref<128x8xf32, #tpu.memory_space<vmem>>
    %dma_start3A_178 = arith.constant 0 : i32
    %dma_start3A_179 = tpu.memref_slice %arg6[%dma_start3A_174, %dma_start3A_178] : memref<4x128xi32, #tpu.memory_space<vmem>> -> memref<1x128xi32, #tpu.memory_space<vmem>>
    %dma_start3A_180 = tpu.memref_squeeze %dma_start3A_179 : memref<1x128xi32, #tpu.memory_space<vmem>> -> memref<128xi32, #tpu.memory_space<vmem>>
    %dma_start3A_181 = arith.constant 48 : i32
    %dma_start3A_182 = arith.constant 0 : i32
    %dma_start3A_183 = tpu.memref_slice %arg3[%dma_start3A_181, %dma_start3A_182] : memref<100096x8xf32, #tpu.memory_space<hbm>> -> memref<99984x8xf32, #tpu.memory_space<hbm>>
    %dma_start3A_184 = arith.constant 0 : i32
    %dma_start3A_185 = arith.constant 0 : i32
    %dma_start3A_186 = tpu.memref_slice %dma_start3A_183[%dma_start3A_184, %dma_start3A_185] : memref<99984x8xf32, #tpu.memory_space<hbm>> -> memref<99984x8xf32, #tpu.memory_space<hbm>>
    tpu.enqueue_indirect_dma source(%dma_start3A_186 : memref<99984x8xf32, #tpu.memory_space<hbm>>) target(%dma_start3A_177 : memref<128x8xf32, #tpu.memory_space<vmem>>) offsets(%dma_start3A_180 : memref<128xi32, #tpu.memory_space<vmem>>) semaphore(%arg9 : memref<!tpu.dma_semaphore, #tpu.memory_space<semaphore_mem>>)
    %dma_start3A_187 = arith.constant 2 : i32
    %dma_start3A_188 = arith.constant 1792 : i32
    %dma_start3A_189 = arith.constant 0 : i32
    %dma_start3A_190 = tpu.memref_slice %arg7[%dma_start3A_188, %dma_start3A_189] : memref<3072x8xf32, #tpu.memory_space<vmem>> -> memref<128x8xf32, #tpu.memory_space<vmem>>
    %dma_start3A_191 = arith.constant 0 : i32
    %dma_start3A_192 = tpu.memref_slice %arg6[%dma_start3A_187, %dma_start3A_191] : memref<4x128xi32, #tpu.memory_space<vmem>> -> memref<1x128xi32, #tpu.memory_space<vmem>>
    %dma_start3A_193 = tpu.memref_squeeze %dma_start3A_192 : memref<1x128xi32, #tpu.memory_space<vmem>> -> memref<128xi32, #tpu.memory_space<vmem>>
    %dma_start3A_194 = arith.constant 48 : i32
    %dma_start3A_195 = arith.constant 0 : i32
    %dma_start3A_196 = tpu.memref_slice %arg3[%dma_start3A_194, %dma_start3A_195] : memref<100096x8xf32, #tpu.memory_space<hbm>> -> memref<99984x8xf32, #tpu.memory_space<hbm>>
    %dma_start3A_197 = arith.constant 0 : i32
    %dma_start3A_198 = arith.constant 0 : i32
    %dma_start3A_199 = tpu.memref_slice %dma_start3A_196[%dma_start3A_197, %dma_start3A_198] : memref<99984x8xf32, #tpu.memory_space<hbm>> -> memref<99984x8xf32, #tpu.memory_space<hbm>>
    tpu.enqueue_indirect_dma source(%dma_start3A_199 : memref<99984x8xf32, #tpu.memory_space<hbm>>) target(%dma_start3A_190 : memref<128x8xf32, #tpu.memory_space<vmem>>) offsets(%dma_start3A_193 : memref<128xi32, #tpu.memory_space<vmem>>) semaphore(%arg9 : memref<!tpu.dma_semaphore, #tpu.memory_space<semaphore_mem>>)
    %dma_start3A_200 = arith.constant 3 : i32
    %dma_start3A_201 = arith.constant 1920 : i32
    %dma_start3A_202 = arith.constant 0 : i32
    %dma_start3A_203 = tpu.memref_slice %arg7[%dma_start3A_201, %dma_start3A_202] : memref<3072x8xf32, #tpu.memory_space<vmem>> -> memref<128x8xf32, #tpu.memory_space<vmem>>
    %dma_start3A_204 = arith.constant 0 : i32
    %dma_start3A_205 = tpu.memref_slice %arg6[%dma_start3A_200, %dma_start3A_204] : memref<4x128xi32, #tpu.memory_space<vmem>> -> memref<1x128xi32, #tpu.memory_space<vmem>>
    %dma_start3A_206 = tpu.memref_squeeze %dma_start3A_205 : memref<1x128xi32, #tpu.memory_space<vmem>> -> memref<128xi32, #tpu.memory_space<vmem>>
    %dma_start3A_207 = arith.constant 48 : i32
    %dma_start3A_208 = arith.constant 0 : i32
    %dma_start3A_209 = tpu.memref_slice %arg3[%dma_start3A_207, %dma_start3A_208] : memref<100096x8xf32, #tpu.memory_space<hbm>> -> memref<99984x8xf32, #tpu.memory_space<hbm>>
    %dma_start3A_210 = arith.constant 0 : i32
    %dma_start3A_211 = arith.constant 0 : i32
    %dma_start3A_212 = tpu.memref_slice %dma_start3A_209[%dma_start3A_210, %dma_start3A_211] : memref<99984x8xf32, #tpu.memory_space<hbm>> -> memref<99984x8xf32, #tpu.memory_space<hbm>>
    tpu.enqueue_indirect_dma source(%dma_start3A_212 : memref<99984x8xf32, #tpu.memory_space<hbm>>) target(%dma_start3A_203 : memref<128x8xf32, #tpu.memory_space<vmem>>) offsets(%dma_start3A_206 : memref<128xi32, #tpu.memory_space<vmem>>) semaphore(%arg9 : memref<!tpu.dma_semaphore, #tpu.memory_space<semaphore_mem>>)
    %dma_start3A_213 = arith.constant 0 : i32
    %dma_start3A_214 = arith.constant 2048 : i32
    %dma_start3A_215 = arith.constant 0 : i32
    %dma_start3A_216 = tpu.memref_slice %arg7[%dma_start3A_214, %dma_start3A_215] : memref<3072x8xf32, #tpu.memory_space<vmem>> -> memref<128x8xf32, #tpu.memory_space<vmem>>
    %dma_start3A_217 = arith.constant 0 : i32
    %dma_start3A_218 = tpu.memref_slice %arg6[%dma_start3A_213, %dma_start3A_217] : memref<4x128xi32, #tpu.memory_space<vmem>> -> memref<1x128xi32, #tpu.memory_space<vmem>>
    %dma_start3A_219 = tpu.memref_squeeze %dma_start3A_218 : memref<1x128xi32, #tpu.memory_space<vmem>> -> memref<128xi32, #tpu.memory_space<vmem>>
    %dma_start3A_220 = arith.constant 64 : i32
    %dma_start3A_221 = arith.constant 0 : i32
    %dma_start3A_222 = tpu.memref_slice %arg3[%dma_start3A_220, %dma_start3A_221] : memref<100096x8xf32, #tpu.memory_space<hbm>> -> memref<99984x8xf32, #tpu.memory_space<hbm>>
    %dma_start3A_223 = arith.constant 0 : i32
    %dma_start3A_224 = arith.constant 0 : i32
    %dma_start3A_225 = tpu.memref_slice %dma_start3A_222[%dma_start3A_223, %dma_start3A_224] : memref<99984x8xf32, #tpu.memory_space<hbm>> -> memref<99984x8xf32, #tpu.memory_space<hbm>>
    tpu.enqueue_indirect_dma source(%dma_start3A_225 : memref<99984x8xf32, #tpu.memory_space<hbm>>) target(%dma_start3A_216 : memref<128x8xf32, #tpu.memory_space<vmem>>) offsets(%dma_start3A_219 : memref<128xi32, #tpu.memory_space<vmem>>) semaphore(%arg9 : memref<!tpu.dma_semaphore, #tpu.memory_space<semaphore_mem>>)
    %dma_start3A_226 = arith.constant 1 : i32
    %dma_start3A_227 = arith.constant 2176 : i32
    %dma_start3A_228 = arith.constant 0 : i32
    %dma_start3A_229 = tpu.memref_slice %arg7[%dma_start3A_227, %dma_start3A_228] : memref<3072x8xf32, #tpu.memory_space<vmem>> -> memref<128x8xf32, #tpu.memory_space<vmem>>
    %dma_start3A_230 = arith.constant 0 : i32
    %dma_start3A_231 = tpu.memref_slice %arg6[%dma_start3A_226, %dma_start3A_230] : memref<4x128xi32, #tpu.memory_space<vmem>> -> memref<1x128xi32, #tpu.memory_space<vmem>>
    %dma_start3A_232 = tpu.memref_squeeze %dma_start3A_231 : memref<1x128xi32, #tpu.memory_space<vmem>> -> memref<128xi32, #tpu.memory_space<vmem>>
    %dma_start3A_233 = arith.constant 64 : i32
    %dma_start3A_234 = arith.constant 0 : i32
    %dma_start3A_235 = tpu.memref_slice %arg3[%dma_start3A_233, %dma_start3A_234] : memref<100096x8xf32, #tpu.memory_space<hbm>> -> memref<99984x8xf32, #tpu.memory_space<hbm>>
    %dma_start3A_236 = arith.constant 0 : i32
    %dma_start3A_237 = arith.constant 0 : i32
    %dma_start3A_238 = tpu.memref_slice %dma_start3A_235[%dma_start3A_236, %dma_start3A_237] : memref<99984x8xf32, #tpu.memory_space<hbm>> -> memref<99984x8xf32, #tpu.memory_space<hbm>>
    tpu.enqueue_indirect_dma source(%dma_start3A_238 : memref<99984x8xf32, #tpu.memory_space<hbm>>) target(%dma_start3A_229 : memref<128x8xf32, #tpu.memory_space<vmem>>) offsets(%dma_start3A_232 : memref<128xi32, #tpu.memory_space<vmem>>) semaphore(%arg9 : memref<!tpu.dma_semaphore, #tpu.memory_space<semaphore_mem>>)
    %dma_start3A_239 = arith.constant 2 : i32
    %dma_start3A_240 = arith.constant 2304 : i32
    %dma_start3A_241 = arith.constant 0 : i32
    %dma_start3A_242 = tpu.memref_slice %arg7[%dma_start3A_240, %dma_start3A_241] : memref<3072x8xf32, #tpu.memory_space<vmem>> -> memref<128x8xf32, #tpu.memory_space<vmem>>
    %dma_start3A_243 = arith.constant 0 : i32
    %dma_start3A_244 = tpu.memref_slice %arg6[%dma_start3A_239, %dma_start3A_243] : memref<4x128xi32, #tpu.memory_space<vmem>> -> memref<1x128xi32, #tpu.memory_space<vmem>>
    %dma_start3A_245 = tpu.memref_squeeze %dma_start3A_244 : memref<1x128xi32, #tpu.memory_space<vmem>> -> memref<128xi32, #tpu.memory_space<vmem>>
    %dma_start3A_246 = arith.constant 64 : i32
    %dma_start3A_247 = arith.constant 0 : i32
    %dma_start3A_248 = tpu.memref_slice %arg3[%dma_start3A_246, %dma_start3A_247] : memref<100096x8xf32, #tpu.memory_space<hbm>> -> memref<99984x8xf32, #tpu.memory_space<hbm>>
    %dma_start3A_249 = arith.constant 0 : i32
    %dma_start3A_250 = arith.constant 0 : i32
    %dma_start3A_251 = tpu.memref_slice %dma_start3A_248[%dma_start3A_249, %dma_start3A_250] : memref<99984x8xf32, #tpu.memory_space<hbm>> -> memref<99984x8xf32, #tpu.memory_space<hbm>>
    tpu.enqueue_indirect_dma source(%dma_start3A_251 : memref<99984x8xf32, #tpu.memory_space<hbm>>) target(%dma_start3A_242 : memref<128x8xf32, #tpu.memory_space<vmem>>) offsets(%dma_start3A_245 : memref<128xi32, #tpu.memory_space<vmem>>) semaphore(%arg9 : memref<!tpu.dma_semaphore, #tpu.memory_space<semaphore_mem>>)
    %dma_start3A_252 = arith.constant 3 : i32
    %dma_start3A_253 = arith.constant 2432 : i32
    %dma_start3A_254 = arith.constant 0 : i32
    %dma_start3A_255 = tpu.memref_slice %arg7[%dma_start3A_253, %dma_start3A_254] : memref<3072x8xf32, #tpu.memory_space<vmem>> -> memref<128x8xf32, #tpu.memory_space<vmem>>
    %dma_start3A_256 = arith.constant 0 : i32
    %dma_start3A_257 = tpu.memref_slice %arg6[%dma_start3A_252, %dma_start3A_256] : memref<4x128xi32, #tpu.memory_space<vmem>> -> memref<1x128xi32, #tpu.memory_space<vmem>>
    %dma_start3A_258 = tpu.memref_squeeze %dma_start3A_257 : memref<1x128xi32, #tpu.memory_space<vmem>> -> memref<128xi32, #tpu.memory_space<vmem>>
    %dma_start3A_259 = arith.constant 64 : i32
    %dma_start3A_260 = arith.constant 0 : i32
    %dma_start3A_261 = tpu.memref_slice %arg3[%dma_start3A_259, %dma_start3A_260] : memref<100096x8xf32, #tpu.memory_space<hbm>> -> memref<99984x8xf32, #tpu.memory_space<hbm>>
    %dma_start3A_262 = arith.constant 0 : i32
    %dma_start3A_263 = arith.constant 0 : i32
    %dma_start3A_264 = tpu.memref_slice %dma_start3A_261[%dma_start3A_262, %dma_start3A_263] : memref<99984x8xf32, #tpu.memory_space<hbm>> -> memref<99984x8xf32, #tpu.memory_space<hbm>>
    tpu.enqueue_indirect_dma source(%dma_start3A_264 : memref<99984x8xf32, #tpu.memory_space<hbm>>) target(%dma_start3A_255 : memref<128x8xf32, #tpu.memory_space<vmem>>) offsets(%dma_start3A_258 : memref<128xi32, #tpu.memory_space<vmem>>) semaphore(%arg9 : memref<!tpu.dma_semaphore, #tpu.memory_space<semaphore_mem>>)
    %dma_start3A_265 = arith.constant 0 : i32
    %dma_start3A_266 = arith.constant 2560 : i32
    %dma_start3A_267 = arith.constant 0 : i32
    %dma_start3A_268 = tpu.memref_slice %arg7[%dma_start3A_266, %dma_start3A_267] : memref<3072x8xf32, #tpu.memory_space<vmem>> -> memref<128x8xf32, #tpu.memory_space<vmem>>
    %dma_start3A_269 = arith.constant 0 : i32
    %dma_start3A_270 = tpu.memref_slice %arg6[%dma_start3A_265, %dma_start3A_269] : memref<4x128xi32, #tpu.memory_space<vmem>> -> memref<1x128xi32, #tpu.memory_space<vmem>>
    %dma_start3A_271 = tpu.memref_squeeze %dma_start3A_270 : memref<1x128xi32, #tpu.memory_space<vmem>> -> memref<128xi32, #tpu.memory_space<vmem>>
    %dma_start3A_272 = arith.constant 80 : i32
    %dma_start3A_273 = arith.constant 0 : i32
    %dma_start3A_274 = tpu.memref_slice %arg3[%dma_start3A_272, %dma_start3A_273] : memref<100096x8xf32, #tpu.memory_space<hbm>> -> memref<99984x8xf32, #tpu.memory_space<hbm>>
    %dma_start3A_275 = arith.constant 0 : i32
    %dma_start3A_276 = arith.constant 0 : i32
    %dma_start3A_277 = tpu.memref_slice %dma_start3A_274[%dma_start3A_275, %dma_start3A_276] : memref<99984x8xf32, #tpu.memory_space<hbm>> -> memref<99984x8xf32, #tpu.memory_space<hbm>>
    tpu.enqueue_indirect_dma source(%dma_start3A_277 : memref<99984x8xf32, #tpu.memory_space<hbm>>) target(%dma_start3A_268 : memref<128x8xf32, #tpu.memory_space<vmem>>) offsets(%dma_start3A_271 : memref<128xi32, #tpu.memory_space<vmem>>) semaphore(%arg9 : memref<!tpu.dma_semaphore, #tpu.memory_space<semaphore_mem>>)
    %dma_start3A_278 = arith.constant 1 : i32
    %dma_start3A_279 = arith.constant 2688 : i32
    %dma_start3A_280 = arith.constant 0 : i32
    %dma_start3A_281 = tpu.memref_slice %arg7[%dma_start3A_279, %dma_start3A_280] : memref<3072x8xf32, #tpu.memory_space<vmem>> -> memref<128x8xf32, #tpu.memory_space<vmem>>
    %dma_start3A_282 = arith.constant 0 : i32
    %dma_start3A_283 = tpu.memref_slice %arg6[%dma_start3A_278, %dma_start3A_282] : memref<4x128xi32, #tpu.memory_space<vmem>> -> memref<1x128xi32, #tpu.memory_space<vmem>>
    %dma_start3A_284 = tpu.memref_squeeze %dma_start3A_283 : memref<1x128xi32, #tpu.memory_space<vmem>> -> memref<128xi32, #tpu.memory_space<vmem>>
    %dma_start3A_285 = arith.constant 80 : i32
    %dma_start3A_286 = arith.constant 0 : i32
    %dma_start3A_287 = tpu.memref_slice %arg3[%dma_start3A_285, %dma_start3A_286] : memref<100096x8xf32, #tpu.memory_space<hbm>> -> memref<99984x8xf32, #tpu.memory_space<hbm>>
    %dma_start3A_288 = arith.constant 0 : i32
    %dma_start3A_289 = arith.constant 0 : i32
    %dma_start3A_290 = tpu.memref_slice %dma_start3A_287[%dma_start3A_288, %dma_start3A_289] : memref<99984x8xf32, #tpu.memory_space<hbm>> -> memref<99984x8xf32, #tpu.memory_space<hbm>>
    tpu.enqueue_indirect_dma source(%dma_start3A_290 : memref<99984x8xf32, #tpu.memory_space<hbm>>) target(%dma_start3A_281 : memref<128x8xf32, #tpu.memory_space<vmem>>) offsets(%dma_start3A_284 : memref<128xi32, #tpu.memory_space<vmem>>) semaphore(%arg9 : memref<!tpu.dma_semaphore, #tpu.memory_space<semaphore_mem>>)
    %dma_start3A_291 = arith.constant 2 : i32
    %dma_start3A_292 = arith.constant 2816 : i32
    %dma_start3A_293 = arith.constant 0 : i32
    %dma_start3A_294 = tpu.memref_slice %arg7[%dma_start3A_292, %dma_start3A_293] : memref<3072x8xf32, #tpu.memory_space<vmem>> -> memref<128x8xf32, #tpu.memory_space<vmem>>
    %dma_start3A_295 = arith.constant 0 : i32
    %dma_start3A_296 = tpu.memref_slice %arg6[%dma_start3A_291, %dma_start3A_295] : memref<4x128xi32, #tpu.memory_space<vmem>> -> memref<1x128xi32, #tpu.memory_space<vmem>>
    %dma_start3A_297 = tpu.memref_squeeze %dma_start3A_296 : memref<1x128xi32, #tpu.memory_space<vmem>> -> memref<128xi32, #tpu.memory_space<vmem>>
    %dma_start3A_298 = arith.constant 80 : i32
    %dma_start3A_299 = arith.constant 0 : i32
    %dma_start3A_300 = tpu.memref_slice %arg3[%dma_start3A_298, %dma_start3A_299] : memref<100096x8xf32, #tpu.memory_space<hbm>> -> memref<99984x8xf32, #tpu.memory_space<hbm>>
    %dma_start3A_301 = arith.constant 0 : i32
    %dma_start3A_302 = arith.constant 0 : i32
    %dma_start3A_303 = tpu.memref_slice %dma_start3A_300[%dma_start3A_301, %dma_start3A_302] : memref<99984x8xf32, #tpu.memory_space<hbm>> -> memref<99984x8xf32, #tpu.memory_space<hbm>>
    tpu.enqueue_indirect_dma source(%dma_start3A_303 : memref<99984x8xf32, #tpu.memory_space<hbm>>) target(%dma_start3A_294 : memref<128x8xf32, #tpu.memory_space<vmem>>) offsets(%dma_start3A_297 : memref<128xi32, #tpu.memory_space<vmem>>) semaphore(%arg9 : memref<!tpu.dma_semaphore, #tpu.memory_space<semaphore_mem>>)
    %dma_start3A_304 = arith.constant 3 : i32
    %dma_start3A_305 = arith.constant 2944 : i32
    %dma_start3A_306 = arith.constant 0 : i32
    %dma_start3A_307 = tpu.memref_slice %arg7[%dma_start3A_305, %dma_start3A_306] : memref<3072x8xf32, #tpu.memory_space<vmem>> -> memref<128x8xf32, #tpu.memory_space<vmem>>
    %dma_start3A_308 = arith.constant 0 : i32
    %dma_start3A_309 = tpu.memref_slice %arg6[%dma_start3A_304, %dma_start3A_308] : memref<4x128xi32, #tpu.memory_space<vmem>> -> memref<1x128xi32, #tpu.memory_space<vmem>>
    %dma_start3A_310 = tpu.memref_squeeze %dma_start3A_309 : memref<1x128xi32, #tpu.memory_space<vmem>> -> memref<128xi32, #tpu.memory_space<vmem>>
    %dma_start3A_311 = arith.constant 80 : i32
    %dma_start3A_312 = arith.constant 0 : i32
    %dma_start3A_313 = tpu.memref_slice %arg3[%dma_start3A_311, %dma_start3A_312] : memref<100096x8xf32, #tpu.memory_space<hbm>> -> memref<99984x8xf32, #tpu.memory_space<hbm>>
    %dma_start3A_314 = arith.constant 0 : i32
    %dma_start3A_315 = arith.constant 0 : i32
    %dma_start3A_316 = tpu.memref_slice %dma_start3A_313[%dma_start3A_314, %dma_start3A_315] : memref<99984x8xf32, #tpu.memory_space<hbm>> -> memref<99984x8xf32, #tpu.memory_space<hbm>>
    tpu.enqueue_indirect_dma source(%dma_start3A_316 : memref<99984x8xf32, #tpu.memory_space<hbm>>) target(%dma_start3A_307 : memref<128x8xf32, #tpu.memory_space<vmem>>) offsets(%dma_start3A_310 : memref<128xi32, #tpu.memory_space<vmem>>) semaphore(%arg9 : memref<!tpu.dma_semaphore, #tpu.memory_space<semaphore_mem>>)
    %dma_wait3A = arith.constant 0 : i32
    %dma_wait3A_317 = arith.constant 0 : i32
    %dma_wait3A_318 = arith.constant 0 : i32
    %dma_wait3A_319 = tpu.memref_slice %arg7[%dma_wait3A_317, %dma_wait3A_318] : memref<3072x8xf32, #tpu.memory_space<vmem>> -> memref<128x8xf32, #tpu.memory_space<vmem>>
    %dma_wait3A_320 = arith.constant 0 : i32
    %dma_wait3A_321 = tpu.memref_slice %arg6[%dma_wait3A, %dma_wait3A_320] : memref<4x128xi32, #tpu.memory_space<vmem>> -> memref<1x128xi32, #tpu.memory_space<vmem>>
    %dma_wait3A_322 = tpu.memref_squeeze %dma_wait3A_321 : memref<1x128xi32, #tpu.memory_space<vmem>> -> memref<128xi32, #tpu.memory_space<vmem>>
    %dma_wait3A_323 = arith.constant 0 : i32
    %dma_wait3A_324 = arith.constant 0 : i32
    %dma_wait3A_325 = tpu.memref_slice %arg3[%dma_wait3A_323, %dma_wait3A_324] : memref<100096x8xf32, #tpu.memory_space<hbm>> -> memref<99984x8xf32, #tpu.memory_space<hbm>>
    %dma_wait3A_326 = arith.constant 0 : i32
    %dma_wait3A_327 = arith.constant 0 : i32
    %dma_wait3A_328 = tpu.memref_slice %dma_wait3A_325[%dma_wait3A_326, %dma_wait3A_327] : memref<99984x8xf32, #tpu.memory_space<hbm>> -> memref<99984x8xf32, #tpu.memory_space<hbm>>
    tpu.wait_indirect_dma semaphore(%arg9 : memref<!tpu.dma_semaphore, #tpu.memory_space<semaphore_mem>>) src(%dma_wait3A_328 : memref<99984x8xf32, #tpu.memory_space<hbm>>) dst(%dma_wait3A_319 : memref<128x8xf32, #tpu.memory_space<vmem>>)
    %dma_wait3A_329 = arith.constant 1 : i32
    %dma_wait3A_330 = arith.constant 128 : i32
    %dma_wait3A_331 = arith.constant 0 : i32
    %dma_wait3A_332 = tpu.memref_slice %arg7[%dma_wait3A_330, %dma_wait3A_331] : memref<3072x8xf32, #tpu.memory_space<vmem>> -> memref<128x8xf32, #tpu.memory_space<vmem>>
    %dma_wait3A_333 = arith.constant 0 : i32
    %dma_wait3A_334 = tpu.memref_slice %arg6[%dma_wait3A_329, %dma_wait3A_333] : memref<4x128xi32, #tpu.memory_space<vmem>> -> memref<1x128xi32, #tpu.memory_space<vmem>>
    %dma_wait3A_335 = tpu.memref_squeeze %dma_wait3A_334 : memref<1x128xi32, #tpu.memory_space<vmem>> -> memref<128xi32, #tpu.memory_space<vmem>>
    %dma_wait3A_336 = arith.constant 0 : i32
    %dma_wait3A_337 = arith.constant 0 : i32
    %dma_wait3A_338 = tpu.memref_slice %arg3[%dma_wait3A_336, %dma_wait3A_337] : memref<100096x8xf32, #tpu.memory_space<hbm>> -> memref<99984x8xf32, #tpu.memory_space<hbm>>
    %dma_wait3A_339 = arith.constant 0 : i32
    %dma_wait3A_340 = arith.constant 0 : i32
    %dma_wait3A_341 = tpu.memref_slice %dma_wait3A_338[%dma_wait3A_339, %dma_wait3A_340] : memref<99984x8xf32, #tpu.memory_space<hbm>> -> memref<99984x8xf32, #tpu.memory_space<hbm>>
    tpu.wait_indirect_dma semaphore(%arg9 : memref<!tpu.dma_semaphore, #tpu.memory_space<semaphore_mem>>) src(%dma_wait3A_341 : memref<99984x8xf32, #tpu.memory_space<hbm>>) dst(%dma_wait3A_332 : memref<128x8xf32, #tpu.memory_space<vmem>>)
    %dma_wait3A_342 = arith.constant 2 : i32
    %dma_wait3A_343 = arith.constant 256 : i32
    %dma_wait3A_344 = arith.constant 0 : i32
    %dma_wait3A_345 = tpu.memref_slice %arg7[%dma_wait3A_343, %dma_wait3A_344] : memref<3072x8xf32, #tpu.memory_space<vmem>> -> memref<128x8xf32, #tpu.memory_space<vmem>>
    %dma_wait3A_346 = arith.constant 0 : i32
    %dma_wait3A_347 = tpu.memref_slice %arg6[%dma_wait3A_342, %dma_wait3A_346] : memref<4x128xi32, #tpu.memory_space<vmem>> -> memref<1x128xi32, #tpu.memory_space<vmem>>
    %dma_wait3A_348 = tpu.memref_squeeze %dma_wait3A_347 : memref<1x128xi32, #tpu.memory_space<vmem>> -> memref<128xi32, #tpu.memory_space<vmem>>
    %dma_wait3A_349 = arith.constant 0 : i32
    %dma_wait3A_350 = arith.constant 0 : i32
    %dma_wait3A_351 = tpu.memref_slice %arg3[%dma_wait3A_349, %dma_wait3A_350] : memref<100096x8xf32, #tpu.memory_space<hbm>> -> memref<99984x8xf32, #tpu.memory_space<hbm>>
    %dma_wait3A_352 = arith.constant 0 : i32
    %dma_wait3A_353 = arith.constant 0 : i32
    %dma_wait3A_354 = tpu.memref_slice %dma_wait3A_351[%dma_wait3A_352, %dma_wait3A_353] : memref<99984x8xf32, #tpu.memory_space<hbm>> -> memref<99984x8xf32, #tpu.memory_space<hbm>>
    tpu.wait_indirect_dma semaphore(%arg9 : memref<!tpu.dma_semaphore, #tpu.memory_space<semaphore_mem>>) src(%dma_wait3A_354 : memref<99984x8xf32, #tpu.memory_space<hbm>>) dst(%dma_wait3A_345 : memref<128x8xf32, #tpu.memory_space<vmem>>)
    %dma_wait3A_355 = arith.constant 3 : i32
    %dma_wait3A_356 = arith.constant 384 : i32
    %dma_wait3A_357 = arith.constant 0 : i32
    %dma_wait3A_358 = tpu.memref_slice %arg7[%dma_wait3A_356, %dma_wait3A_357] : memref<3072x8xf32, #tpu.memory_space<vmem>> -> memref<128x8xf32, #tpu.memory_space<vmem>>
    %dma_wait3A_359 = arith.constant 0 : i32
    %dma_wait3A_360 = tpu.memref_slice %arg6[%dma_wait3A_355, %dma_wait3A_359] : memref<4x128xi32, #tpu.memory_space<vmem>> -> memref<1x128xi32, #tpu.memory_space<vmem>>
    %dma_wait3A_361 = tpu.memref_squeeze %dma_wait3A_360 : memref<1x128xi32, #tpu.memory_space<vmem>> -> memref<128xi32, #tpu.memory_space<vmem>>
    %dma_wait3A_362 = arith.constant 0 : i32
    %dma_wait3A_363 = arith.constant 0 : i32
    %dma_wait3A_364 = tpu.memref_slice %arg3[%dma_wait3A_362, %dma_wait3A_363] : memref<100096x8xf32, #tpu.memory_space<hbm>> -> memref<99984x8xf32, #tpu.memory_space<hbm>>
    %dma_wait3A_365 = arith.constant 0 : i32
    %dma_wait3A_366 = arith.constant 0 : i32
    %dma_wait3A_367 = tpu.memref_slice %dma_wait3A_364[%dma_wait3A_365, %dma_wait3A_366] : memref<99984x8xf32, #tpu.memory_space<hbm>> -> memref<99984x8xf32, #tpu.memory_space<hbm>>
    tpu.wait_indirect_dma semaphore(%arg9 : memref<!tpu.dma_semaphore, #tpu.memory_space<semaphore_mem>>) src(%dma_wait3A_367 : memref<99984x8xf32, #tpu.memory_space<hbm>>) dst(%dma_wait3A_358 : memref<128x8xf32, #tpu.memory_space<vmem>>)
    %dma_wait3A_368 = arith.constant 0 : i32
    %dma_wait3A_369 = arith.constant 512 : i32
    %dma_wait3A_370 = arith.constant 0 : i32
    %dma_wait3A_371 = tpu.memref_slice %arg7[%dma_wait3A_369, %dma_wait3A_370] : memref<3072x8xf32, #tpu.memory_space<vmem>> -> memref<128x8xf32, #tpu.memory_space<vmem>>
    %dma_wait3A_372 = arith.constant 0 : i32
    %dma_wait3A_373 = tpu.memref_slice %arg6[%dma_wait3A_368, %dma_wait3A_372] : memref<4x128xi32, #tpu.memory_space<vmem>> -> memref<1x128xi32, #tpu.memory_space<vmem>>
    %dma_wait3A_374 = tpu.memref_squeeze %dma_wait3A_373 : memref<1x128xi32, #tpu.memory_space<vmem>> -> memref<128xi32, #tpu.memory_space<vmem>>
    %dma_wait3A_375 = arith.constant 16 : i32
    %dma_wait3A_376 = arith.constant 0 : i32
    %dma_wait3A_377 = tpu.memref_slice %arg3[%dma_wait3A_375, %dma_wait3A_376] : memref<100096x8xf32, #tpu.memory_space<hbm>> -> memref<99984x8xf32, #tpu.memory_space<hbm>>
    %dma_wait3A_378 = arith.constant 0 : i32
    %dma_wait3A_379 = arith.constant 0 : i32
    %dma_wait3A_380 = tpu.memref_slice %dma_wait3A_377[%dma_wait3A_378, %dma_wait3A_379] : memref<99984x8xf32, #tpu.memory_space<hbm>> -> memref<99984x8xf32, #tpu.memory_space<hbm>>
    tpu.wait_indirect_dma semaphore(%arg9 : memref<!tpu.dma_semaphore, #tpu.memory_space<semaphore_mem>>) src(%dma_wait3A_380 : memref<99984x8xf32, #tpu.memory_space<hbm>>) dst(%dma_wait3A_371 : memref<128x8xf32, #tpu.memory_space<vmem>>)
    %dma_wait3A_381 = arith.constant 1 : i32
    %dma_wait3A_382 = arith.constant 640 : i32
    %dma_wait3A_383 = arith.constant 0 : i32
    %dma_wait3A_384 = tpu.memref_slice %arg7[%dma_wait3A_382, %dma_wait3A_383] : memref<3072x8xf32, #tpu.memory_space<vmem>> -> memref<128x8xf32, #tpu.memory_space<vmem>>
    %dma_wait3A_385 = arith.constant 0 : i32
    %dma_wait3A_386 = tpu.memref_slice %arg6[%dma_wait3A_381, %dma_wait3A_385] : memref<4x128xi32, #tpu.memory_space<vmem>> -> memref<1x128xi32, #tpu.memory_space<vmem>>
    %dma_wait3A_387 = tpu.memref_squeeze %dma_wait3A_386 : memref<1x128xi32, #tpu.memory_space<vmem>> -> memref<128xi32, #tpu.memory_space<vmem>>
    %dma_wait3A_388 = arith.constant 16 : i32
    %dma_wait3A_389 = arith.constant 0 : i32
    %dma_wait3A_390 = tpu.memref_slice %arg3[%dma_wait3A_388, %dma_wait3A_389] : memref<100096x8xf32, #tpu.memory_space<hbm>> -> memref<99984x8xf32, #tpu.memory_space<hbm>>
    %dma_wait3A_391 = arith.constant 0 : i32
    %dma_wait3A_392 = arith.constant 0 : i32
    %dma_wait3A_393 = tpu.memref_slice %dma_wait3A_390[%dma_wait3A_391, %dma_wait3A_392] : memref<99984x8xf32, #tpu.memory_space<hbm>> -> memref<99984x8xf32, #tpu.memory_space<hbm>>
    tpu.wait_indirect_dma semaphore(%arg9 : memref<!tpu.dma_semaphore, #tpu.memory_space<semaphore_mem>>) src(%dma_wait3A_393 : memref<99984x8xf32, #tpu.memory_space<hbm>>) dst(%dma_wait3A_384 : memref<128x8xf32, #tpu.memory_space<vmem>>)
    %dma_wait3A_394 = arith.constant 2 : i32
    %dma_wait3A_395 = arith.constant 768 : i32
    %dma_wait3A_396 = arith.constant 0 : i32
    %dma_wait3A_397 = tpu.memref_slice %arg7[%dma_wait3A_395, %dma_wait3A_396] : memref<3072x8xf32, #tpu.memory_space<vmem>> -> memref<128x8xf32, #tpu.memory_space<vmem>>
    %dma_wait3A_398 = arith.constant 0 : i32
    %dma_wait3A_399 = tpu.memref_slice %arg6[%dma_wait3A_394, %dma_wait3A_398] : memref<4x128xi32, #tpu.memory_space<vmem>> -> memref<1x128xi32, #tpu.memory_space<vmem>>
    %dma_wait3A_400 = tpu.memref_squeeze %dma_wait3A_399 : memref<1x128xi32, #tpu.memory_space<vmem>> -> memref<128xi32, #tpu.memory_space<vmem>>
    %dma_wait3A_401 = arith.constant 16 : i32
    %dma_wait3A_402 = arith.constant 0 : i32
    %dma_wait3A_403 = tpu.memref_slice %arg3[%dma_wait3A_401, %dma_wait3A_402] : memref<100096x8xf32, #tpu.memory_space<hbm>> -> memref<99984x8xf32, #tpu.memory_space<hbm>>
    %dma_wait3A_404 = arith.constant 0 : i32
    %dma_wait3A_405 = arith.constant 0 : i32
    %dma_wait3A_406 = tpu.memref_slice %dma_wait3A_403[%dma_wait3A_404, %dma_wait3A_405] : memref<99984x8xf32, #tpu.memory_space<hbm>> -> memref<99984x8xf32, #tpu.memory_space<hbm>>
    tpu.wait_indirect_dma semaphore(%arg9 : memref<!tpu.dma_semaphore, #tpu.memory_space<semaphore_mem>>) src(%dma_wait3A_406 : memref<99984x8xf32, #tpu.memory_space<hbm>>) dst(%dma_wait3A_397 : memref<128x8xf32, #tpu.memory_space<vmem>>)
    %dma_wait3A_407 = arith.constant 3 : i32
    %dma_wait3A_408 = arith.constant 896 : i32
    %dma_wait3A_409 = arith.constant 0 : i32
    %dma_wait3A_410 = tpu.memref_slice %arg7[%dma_wait3A_408, %dma_wait3A_409] : memref<3072x8xf32, #tpu.memory_space<vmem>> -> memref<128x8xf32, #tpu.memory_space<vmem>>
    %dma_wait3A_411 = arith.constant 0 : i32
    %dma_wait3A_412 = tpu.memref_slice %arg6[%dma_wait3A_407, %dma_wait3A_411] : memref<4x128xi32, #tpu.memory_space<vmem>> -> memref<1x128xi32, #tpu.memory_space<vmem>>
    %dma_wait3A_413 = tpu.memref_squeeze %dma_wait3A_412 : memref<1x128xi32, #tpu.memory_space<vmem>> -> memref<128xi32, #tpu.memory_space<vmem>>
    %dma_wait3A_414 = arith.constant 16 : i32
    %dma_wait3A_415 = arith.constant 0 : i32
    %dma_wait3A_416 = tpu.memref_slice %arg3[%dma_wait3A_414, %dma_wait3A_415] : memref<100096x8xf32, #tpu.memory_space<hbm>> -> memref<99984x8xf32, #tpu.memory_space<hbm>>
    %dma_wait3A_417 = arith.constant 0 : i32
    %dma_wait3A_418 = arith.constant 0 : i32
    %dma_wait3A_419 = tpu.memref_slice %dma_wait3A_416[%dma_wait3A_417, %dma_wait3A_418] : memref<99984x8xf32, #tpu.memory_space<hbm>> -> memref<99984x8xf32, #tpu.memory_space<hbm>>
    tpu.wait_indirect_dma semaphore(%arg9 : memref<!tpu.dma_semaphore, #tpu.memory_space<semaphore_mem>>) src(%dma_wait3A_419 : memref<99984x8xf32, #tpu.memory_space<hbm>>) dst(%dma_wait3A_410 : memref<128x8xf32, #tpu.memory_space<vmem>>)
    %dma_wait3A_420 = arith.constant 0 : i32
    %dma_wait3A_421 = arith.constant 1024 : i32
    %dma_wait3A_422 = arith.constant 0 : i32
    %dma_wait3A_423 = tpu.memref_slice %arg7[%dma_wait3A_421, %dma_wait3A_422] : memref<3072x8xf32, #tpu.memory_space<vmem>> -> memref<128x8xf32, #tpu.memory_space<vmem>>
    %dma_wait3A_424 = arith.constant 0 : i32
    %dma_wait3A_425 = tpu.memref_slice %arg6[%dma_wait3A_420, %dma_wait3A_424] : memref<4x128xi32, #tpu.memory_space<vmem>> -> memref<1x128xi32, #tpu.memory_space<vmem>>
    %dma_wait3A_426 = tpu.memref_squeeze %dma_wait3A_425 : memref<1x128xi32, #tpu.memory_space<vmem>> -> memref<128xi32, #tpu.memory_space<vmem>>
    %dma_wait3A_427 = arith.constant 32 : i32
    %dma_wait3A_428 = arith.constant 0 : i32
    %dma_wait3A_429 = tpu.memref_slice %arg3[%dma_wait3A_427, %dma_wait3A_428] : memref<100096x8xf32, #tpu.memory_space<hbm>> -> memref<99984x8xf32, #tpu.memory_space<hbm>>
    %dma_wait3A_430 = arith.constant 0 : i32
    %dma_wait3A_431 = arith.constant 0 : i32
    %dma_wait3A_432 = tpu.memref_slice %dma_wait3A_429[%dma_wait3A_430, %dma_wait3A_431] : memref<99984x8xf32, #tpu.memory_space<hbm>> -> memref<99984x8xf32, #tpu.memory_space<hbm>>
    tpu.wait_indirect_dma semaphore(%arg9 : memref<!tpu.dma_semaphore, #tpu.memory_space<semaphore_mem>>) src(%dma_wait3A_432 : memref<99984x8xf32, #tpu.memory_space<hbm>>) dst(%dma_wait3A_423 : memref<128x8xf32, #tpu.memory_space<vmem>>)
    %dma_wait3A_433 = arith.constant 1 : i32
    %dma_wait3A_434 = arith.constant 1152 : i32
    %dma_wait3A_435 = arith.constant 0 : i32
    %dma_wait3A_436 = tpu.memref_slice %arg7[%dma_wait3A_434, %dma_wait3A_435] : memref<3072x8xf32, #tpu.memory_space<vmem>> -> memref<128x8xf32, #tpu.memory_space<vmem>>
    %dma_wait3A_437 = arith.constant 0 : i32
    %dma_wait3A_438 = tpu.memref_slice %arg6[%dma_wait3A_433, %dma_wait3A_437] : memref<4x128xi32, #tpu.memory_space<vmem>> -> memref<1x128xi32, #tpu.memory_space<vmem>>
    %dma_wait3A_439 = tpu.memref_squeeze %dma_wait3A_438 : memref<1x128xi32, #tpu.memory_space<vmem>> -> memref<128xi32, #tpu.memory_space<vmem>>
    %dma_wait3A_440 = arith.constant 32 : i32
    %dma_wait3A_441 = arith.constant 0 : i32
    %dma_wait3A_442 = tpu.memref_slice %arg3[%dma_wait3A_440, %dma_wait3A_441] : memref<100096x8xf32, #tpu.memory_space<hbm>> -> memref<99984x8xf32, #tpu.memory_space<hbm>>
    %dma_wait3A_443 = arith.constant 0 : i32
    %dma_wait3A_444 = arith.constant 0 : i32
    %dma_wait3A_445 = tpu.memref_slice %dma_wait3A_442[%dma_wait3A_443, %dma_wait3A_444] : memref<99984x8xf32, #tpu.memory_space<hbm>> -> memref<99984x8xf32, #tpu.memory_space<hbm>>
    tpu.wait_indirect_dma semaphore(%arg9 : memref<!tpu.dma_semaphore, #tpu.memory_space<semaphore_mem>>) src(%dma_wait3A_445 : memref<99984x8xf32, #tpu.memory_space<hbm>>) dst(%dma_wait3A_436 : memref<128x8xf32, #tpu.memory_space<vmem>>)
    %dma_wait3A_446 = arith.constant 2 : i32
    %dma_wait3A_447 = arith.constant 1280 : i32
    %dma_wait3A_448 = arith.constant 0 : i32
    %dma_wait3A_449 = tpu.memref_slice %arg7[%dma_wait3A_447, %dma_wait3A_448] : memref<3072x8xf32, #tpu.memory_space<vmem>> -> memref<128x8xf32, #tpu.memory_space<vmem>>
    %dma_wait3A_450 = arith.constant 0 : i32
    %dma_wait3A_451 = tpu.memref_slice %arg6[%dma_wait3A_446, %dma_wait3A_450] : memref<4x128xi32, #tpu.memory_space<vmem>> -> memref<1x128xi32, #tpu.memory_space<vmem>>
    %dma_wait3A_452 = tpu.memref_squeeze %dma_wait3A_451 : memref<1x128xi32, #tpu.memory_space<vmem>> -> memref<128xi32, #tpu.memory_space<vmem>>
    %dma_wait3A_453 = arith.constant 32 : i32
    %dma_wait3A_454 = arith.constant 0 : i32
    %dma_wait3A_455 = tpu.memref_slice %arg3[%dma_wait3A_453, %dma_wait3A_454] : memref<100096x8xf32, #tpu.memory_space<hbm>> -> memref<99984x8xf32, #tpu.memory_space<hbm>>
    %dma_wait3A_456 = arith.constant 0 : i32
    %dma_wait3A_457 = arith.constant 0 : i32
    %dma_wait3A_458 = tpu.memref_slice %dma_wait3A_455[%dma_wait3A_456, %dma_wait3A_457] : memref<99984x8xf32, #tpu.memory_space<hbm>> -> memref<99984x8xf32, #tpu.memory_space<hbm>>
    tpu.wait_indirect_dma semaphore(%arg9 : memref<!tpu.dma_semaphore, #tpu.memory_space<semaphore_mem>>) src(%dma_wait3A_458 : memref<99984x8xf32, #tpu.memory_space<hbm>>) dst(%dma_wait3A_449 : memref<128x8xf32, #tpu.memory_space<vmem>>)
    %dma_wait3A_459 = arith.constant 3 : i32
    %dma_wait3A_460 = arith.constant 1408 : i32
    %dma_wait3A_461 = arith.constant 0 : i32
    %dma_wait3A_462 = tpu.memref_slice %arg7[%dma_wait3A_460, %dma_wait3A_461] : memref<3072x8xf32, #tpu.memory_space<vmem>> -> memref<128x8xf32, #tpu.memory_space<vmem>>
    %dma_wait3A_463 = arith.constant 0 : i32
    %dma_wait3A_464 = tpu.memref_slice %arg6[%dma_wait3A_459, %dma_wait3A_463] : memref<4x128xi32, #tpu.memory_space<vmem>> -> memref<1x128xi32, #tpu.memory_space<vmem>>
    %dma_wait3A_465 = tpu.memref_squeeze %dma_wait3A_464 : memref<1x128xi32, #tpu.memory_space<vmem>> -> memref<128xi32, #tpu.memory_space<vmem>>
    %dma_wait3A_466 = arith.constant 32 : i32
    %dma_wait3A_467 = arith.constant 0 : i32
    %dma_wait3A_468 = tpu.memref_slice %arg3[%dma_wait3A_466, %dma_wait3A_467] : memref<100096x8xf32, #tpu.memory_space<hbm>> -> memref<99984x8xf32, #tpu.memory_space<hbm>>
    %dma_wait3A_469 = arith.constant 0 : i32
    %dma_wait3A_470 = arith.constant 0 : i32
    %dma_wait3A_471 = tpu.memref_slice %dma_wait3A_468[%dma_wait3A_469, %dma_wait3A_470] : memref<99984x8xf32, #tpu.memory_space<hbm>> -> memref<99984x8xf32, #tpu.memory_space<hbm>>
    tpu.wait_indirect_dma semaphore(%arg9 : memref<!tpu.dma_semaphore, #tpu.memory_space<semaphore_mem>>) src(%dma_wait3A_471 : memref<99984x8xf32, #tpu.memory_space<hbm>>) dst(%dma_wait3A_462 : memref<128x8xf32, #tpu.memory_space<vmem>>)
    %dma_wait3A_472 = arith.constant 0 : i32
    %dma_wait3A_473 = arith.constant 1536 : i32
    %dma_wait3A_474 = arith.constant 0 : i32
    %dma_wait3A_475 = tpu.memref_slice %arg7[%dma_wait3A_473, %dma_wait3A_474] : memref<3072x8xf32, #tpu.memory_space<vmem>> -> memref<128x8xf32, #tpu.memory_space<vmem>>
    %dma_wait3A_476 = arith.constant 0 : i32
    %dma_wait3A_477 = tpu.memref_slice %arg6[%dma_wait3A_472, %dma_wait3A_476] : memref<4x128xi32, #tpu.memory_space<vmem>> -> memref<1x128xi32, #tpu.memory_space<vmem>>
    %dma_wait3A_478 = tpu.memref_squeeze %dma_wait3A_477 : memref<1x128xi32, #tpu.memory_space<vmem>> -> memref<128xi32, #tpu.memory_space<vmem>>
    %dma_wait3A_479 = arith.constant 48 : i32
    %dma_wait3A_480 = arith.constant 0 : i32
    %dma_wait3A_481 = tpu.memref_slice %arg3[%dma_wait3A_479, %dma_wait3A_480] : memref<100096x8xf32, #tpu.memory_space<hbm>> -> memref<99984x8xf32, #tpu.memory_space<hbm>>
    %dma_wait3A_482 = arith.constant 0 : i32
    %dma_wait3A_483 = arith.constant 0 : i32
    %dma_wait3A_484 = tpu.memref_slice %dma_wait3A_481[%dma_wait3A_482, %dma_wait3A_483] : memref<99984x8xf32, #tpu.memory_space<hbm>> -> memref<99984x8xf32, #tpu.memory_space<hbm>>
    tpu.wait_indirect_dma semaphore(%arg9 : memref<!tpu.dma_semaphore, #tpu.memory_space<semaphore_mem>>) src(%dma_wait3A_484 : memref<99984x8xf32, #tpu.memory_space<hbm>>) dst(%dma_wait3A_475 : memref<128x8xf32, #tpu.memory_space<vmem>>)
    %dma_wait3A_485 = arith.constant 1 : i32
    %dma_wait3A_486 = arith.constant 1664 : i32
    %dma_wait3A_487 = arith.constant 0 : i32
    %dma_wait3A_488 = tpu.memref_slice %arg7[%dma_wait3A_486, %dma_wait3A_487] : memref<3072x8xf32, #tpu.memory_space<vmem>> -> memref<128x8xf32, #tpu.memory_space<vmem>>
    %dma_wait3A_489 = arith.constant 0 : i32
    %dma_wait3A_490 = tpu.memref_slice %arg6[%dma_wait3A_485, %dma_wait3A_489] : memref<4x128xi32, #tpu.memory_space<vmem>> -> memref<1x128xi32, #tpu.memory_space<vmem>>
    %dma_wait3A_491 = tpu.memref_squeeze %dma_wait3A_490 : memref<1x128xi32, #tpu.memory_space<vmem>> -> memref<128xi32, #tpu.memory_space<vmem>>
    %dma_wait3A_492 = arith.constant 48 : i32
    %dma_wait3A_493 = arith.constant 0 : i32
    %dma_wait3A_494 = tpu.memref_slice %arg3[%dma_wait3A_492, %dma_wait3A_493] : memref<100096x8xf32, #tpu.memory_space<hbm>> -> memref<99984x8xf32, #tpu.memory_space<hbm>>
    %dma_wait3A_495 = arith.constant 0 : i32
    %dma_wait3A_496 = arith.constant 0 : i32
    %dma_wait3A_497 = tpu.memref_slice %dma_wait3A_494[%dma_wait3A_495, %dma_wait3A_496] : memref<99984x8xf32, #tpu.memory_space<hbm>> -> memref<99984x8xf32, #tpu.memory_space<hbm>>
    tpu.wait_indirect_dma semaphore(%arg9 : memref<!tpu.dma_semaphore, #tpu.memory_space<semaphore_mem>>) src(%dma_wait3A_497 : memref<99984x8xf32, #tpu.memory_space<hbm>>) dst(%dma_wait3A_488 : memref<128x8xf32, #tpu.memory_space<vmem>>)
    %dma_wait3A_498 = arith.constant 2 : i32
    %dma_wait3A_499 = arith.constant 1792 : i32
    %dma_wait3A_500 = arith.constant 0 : i32
    %dma_wait3A_501 = tpu.memref_slice %arg7[%dma_wait3A_499, %dma_wait3A_500] : memref<3072x8xf32, #tpu.memory_space<vmem>> -> memref<128x8xf32, #tpu.memory_space<vmem>>
    %dma_wait3A_502 = arith.constant 0 : i32
    %dma_wait3A_503 = tpu.memref_slice %arg6[%dma_wait3A_498, %dma_wait3A_502] : memref<4x128xi32, #tpu.memory_space<vmem>> -> memref<1x128xi32, #tpu.memory_space<vmem>>
    %dma_wait3A_504 = tpu.memref_squeeze %dma_wait3A_503 : memref<1x128xi32, #tpu.memory_space<vmem>> -> memref<128xi32, #tpu.memory_space<vmem>>
    %dma_wait3A_505 = arith.constant 48 : i32
    %dma_wait3A_506 = arith.constant 0 : i32
    %dma_wait3A_507 = tpu.memref_slice %arg3[%dma_wait3A_505, %dma_wait3A_506] : memref<100096x8xf32, #tpu.memory_space<hbm>> -> memref<99984x8xf32, #tpu.memory_space<hbm>>
    %dma_wait3A_508 = arith.constant 0 : i32
    %dma_wait3A_509 = arith.constant 0 : i32
    %dma_wait3A_510 = tpu.memref_slice %dma_wait3A_507[%dma_wait3A_508, %dma_wait3A_509] : memref<99984x8xf32, #tpu.memory_space<hbm>> -> memref<99984x8xf32, #tpu.memory_space<hbm>>
    tpu.wait_indirect_dma semaphore(%arg9 : memref<!tpu.dma_semaphore, #tpu.memory_space<semaphore_mem>>) src(%dma_wait3A_510 : memref<99984x8xf32, #tpu.memory_space<hbm>>) dst(%dma_wait3A_501 : memref<128x8xf32, #tpu.memory_space<vmem>>)
    %dma_wait3A_511 = arith.constant 3 : i32
    %dma_wait3A_512 = arith.constant 1920 : i32
    %dma_wait3A_513 = arith.constant 0 : i32
    %dma_wait3A_514 = tpu.memref_slice %arg7[%dma_wait3A_512, %dma_wait3A_513] : memref<3072x8xf32, #tpu.memory_space<vmem>> -> memref<128x8xf32, #tpu.memory_space<vmem>>
    %dma_wait3A_515 = arith.constant 0 : i32
    %dma_wait3A_516 = tpu.memref_slice %arg6[%dma_wait3A_511, %dma_wait3A_515] : memref<4x128xi32, #tpu.memory_space<vmem>> -> memref<1x128xi32, #tpu.memory_space<vmem>>
    %dma_wait3A_517 = tpu.memref_squeeze %dma_wait3A_516 : memref<1x128xi32, #tpu.memory_space<vmem>> -> memref<128xi32, #tpu.memory_space<vmem>>
    %dma_wait3A_518 = arith.constant 48 : i32
    %dma_wait3A_519 = arith.constant 0 : i32
    %dma_wait3A_520 = tpu.memref_slice %arg3[%dma_wait3A_518, %dma_wait3A_519] : memref<100096x8xf32, #tpu.memory_space<hbm>> -> memref<99984x8xf32, #tpu.memory_space<hbm>>
    %dma_wait3A_521 = arith.constant 0 : i32
    %dma_wait3A_522 = arith.constant 0 : i32
    %dma_wait3A_523 = tpu.memref_slice %dma_wait3A_520[%dma_wait3A_521, %dma_wait3A_522] : memref<99984x8xf32, #tpu.memory_space<hbm>> -> memref<99984x8xf32, #tpu.memory_space<hbm>>
    tpu.wait_indirect_dma semaphore(%arg9 : memref<!tpu.dma_semaphore, #tpu.memory_space<semaphore_mem>>) src(%dma_wait3A_523 : memref<99984x8xf32, #tpu.memory_space<hbm>>) dst(%dma_wait3A_514 : memref<128x8xf32, #tpu.memory_space<vmem>>)
    %dma_wait3A_524 = arith.constant 0 : i32
    %dma_wait3A_525 = arith.constant 2048 : i32
    %dma_wait3A_526 = arith.constant 0 : i32
    %dma_wait3A_527 = tpu.memref_slice %arg7[%dma_wait3A_525, %dma_wait3A_526] : memref<3072x8xf32, #tpu.memory_space<vmem>> -> memref<128x8xf32, #tpu.memory_space<vmem>>
    %dma_wait3A_528 = arith.constant 0 : i32
    %dma_wait3A_529 = tpu.memref_slice %arg6[%dma_wait3A_524, %dma_wait3A_528] : memref<4x128xi32, #tpu.memory_space<vmem>> -> memref<1x128xi32, #tpu.memory_space<vmem>>
    %dma_wait3A_530 = tpu.memref_squeeze %dma_wait3A_529 : memref<1x128xi32, #tpu.memory_space<vmem>> -> memref<128xi32, #tpu.memory_space<vmem>>
    %dma_wait3A_531 = arith.constant 64 : i32
    %dma_wait3A_532 = arith.constant 0 : i32
    %dma_wait3A_533 = tpu.memref_slice %arg3[%dma_wait3A_531, %dma_wait3A_532] : memref<100096x8xf32, #tpu.memory_space<hbm>> -> memref<99984x8xf32, #tpu.memory_space<hbm>>
    %dma_wait3A_534 = arith.constant 0 : i32
    %dma_wait3A_535 = arith.constant 0 : i32
    %dma_wait3A_536 = tpu.memref_slice %dma_wait3A_533[%dma_wait3A_534, %dma_wait3A_535] : memref<99984x8xf32, #tpu.memory_space<hbm>> -> memref<99984x8xf32, #tpu.memory_space<hbm>>
    tpu.wait_indirect_dma semaphore(%arg9 : memref<!tpu.dma_semaphore, #tpu.memory_space<semaphore_mem>>) src(%dma_wait3A_536 : memref<99984x8xf32, #tpu.memory_space<hbm>>) dst(%dma_wait3A_527 : memref<128x8xf32, #tpu.memory_space<vmem>>)
    %dma_wait3A_537 = arith.constant 1 : i32
    %dma_wait3A_538 = arith.constant 2176 : i32
    %dma_wait3A_539 = arith.constant 0 : i32
    %dma_wait3A_540 = tpu.memref_slice %arg7[%dma_wait3A_538, %dma_wait3A_539] : memref<3072x8xf32, #tpu.memory_space<vmem>> -> memref<128x8xf32, #tpu.memory_space<vmem>>
    %dma_wait3A_541 = arith.constant 0 : i32
    %dma_wait3A_542 = tpu.memref_slice %arg6[%dma_wait3A_537, %dma_wait3A_541] : memref<4x128xi32, #tpu.memory_space<vmem>> -> memref<1x128xi32, #tpu.memory_space<vmem>>
    %dma_wait3A_543 = tpu.memref_squeeze %dma_wait3A_542 : memref<1x128xi32, #tpu.memory_space<vmem>> -> memref<128xi32, #tpu.memory_space<vmem>>
    %dma_wait3A_544 = arith.constant 64 : i32
    %dma_wait3A_545 = arith.constant 0 : i32
    %dma_wait3A_546 = tpu.memref_slice %arg3[%dma_wait3A_544, %dma_wait3A_545] : memref<100096x8xf32, #tpu.memory_space<hbm>> -> memref<99984x8xf32, #tpu.memory_space<hbm>>
    %dma_wait3A_547 = arith.constant 0 : i32
    %dma_wait3A_548 = arith.constant 0 : i32
    %dma_wait3A_549 = tpu.memref_slice %dma_wait3A_546[%dma_wait3A_547, %dma_wait3A_548] : memref<99984x8xf32, #tpu.memory_space<hbm>> -> memref<99984x8xf32, #tpu.memory_space<hbm>>
    tpu.wait_indirect_dma semaphore(%arg9 : memref<!tpu.dma_semaphore, #tpu.memory_space<semaphore_mem>>) src(%dma_wait3A_549 : memref<99984x8xf32, #tpu.memory_space<hbm>>) dst(%dma_wait3A_540 : memref<128x8xf32, #tpu.memory_space<vmem>>)
    %dma_wait3A_550 = arith.constant 2 : i32
    %dma_wait3A_551 = arith.constant 2304 : i32
    %dma_wait3A_552 = arith.constant 0 : i32
    %dma_wait3A_553 = tpu.memref_slice %arg7[%dma_wait3A_551, %dma_wait3A_552] : memref<3072x8xf32, #tpu.memory_space<vmem>> -> memref<128x8xf32, #tpu.memory_space<vmem>>
    %dma_wait3A_554 = arith.constant 0 : i32
    %dma_wait3A_555 = tpu.memref_slice %arg6[%dma_wait3A_550, %dma_wait3A_554] : memref<4x128xi32, #tpu.memory_space<vmem>> -> memref<1x128xi32, #tpu.memory_space<vmem>>
    %dma_wait3A_556 = tpu.memref_squeeze %dma_wait3A_555 : memref<1x128xi32, #tpu.memory_space<vmem>> -> memref<128xi32, #tpu.memory_space<vmem>>
    %dma_wait3A_557 = arith.constant 64 : i32
    %dma_wait3A_558 = arith.constant 0 : i32
    %dma_wait3A_559 = tpu.memref_slice %arg3[%dma_wait3A_557, %dma_wait3A_558] : memref<100096x8xf32, #tpu.memory_space<hbm>> -> memref<99984x8xf32, #tpu.memory_space<hbm>>
    %dma_wait3A_560 = arith.constant 0 : i32
    %dma_wait3A_561 = arith.constant 0 : i32
    %dma_wait3A_562 = tpu.memref_slice %dma_wait3A_559[%dma_wait3A_560, %dma_wait3A_561] : memref<99984x8xf32, #tpu.memory_space<hbm>> -> memref<99984x8xf32, #tpu.memory_space<hbm>>
    tpu.wait_indirect_dma semaphore(%arg9 : memref<!tpu.dma_semaphore, #tpu.memory_space<semaphore_mem>>) src(%dma_wait3A_562 : memref<99984x8xf32, #tpu.memory_space<hbm>>) dst(%dma_wait3A_553 : memref<128x8xf32, #tpu.memory_space<vmem>>)
    %dma_wait3A_563 = arith.constant 3 : i32
    %dma_wait3A_564 = arith.constant 2432 : i32
    %dma_wait3A_565 = arith.constant 0 : i32
    %dma_wait3A_566 = tpu.memref_slice %arg7[%dma_wait3A_564, %dma_wait3A_565] : memref<3072x8xf32, #tpu.memory_space<vmem>> -> memref<128x8xf32, #tpu.memory_space<vmem>>
    %dma_wait3A_567 = arith.constant 0 : i32
    %dma_wait3A_568 = tpu.memref_slice %arg6[%dma_wait3A_563, %dma_wait3A_567] : memref<4x128xi32, #tpu.memory_space<vmem>> -> memref<1x128xi32, #tpu.memory_space<vmem>>
    %dma_wait3A_569 = tpu.memref_squeeze %dma_wait3A_568 : memref<1x128xi32, #tpu.memory_space<vmem>> -> memref<128xi32, #tpu.memory_space<vmem>>
    %dma_wait3A_570 = arith.constant 64 : i32
    %dma_wait3A_571 = arith.constant 0 : i32
    %dma_wait3A_572 = tpu.memref_slice %arg3[%dma_wait3A_570, %dma_wait3A_571] : memref<100096x8xf32, #tpu.memory_space<hbm>> -> memref<99984x8xf32, #tpu.memory_space<hbm>>
    %dma_wait3A_573 = arith.constant 0 : i32
    %dma_wait3A_574 = arith.constant 0 : i32
    %dma_wait3A_575 = tpu.memref_slice %dma_wait3A_572[%dma_wait3A_573, %dma_wait3A_574] : memref<99984x8xf32, #tpu.memory_space<hbm>> -> memref<99984x8xf32, #tpu.memory_space<hbm>>
    tpu.wait_indirect_dma semaphore(%arg9 : memref<!tpu.dma_semaphore, #tpu.memory_space<semaphore_mem>>) src(%dma_wait3A_575 : memref<99984x8xf32, #tpu.memory_space<hbm>>) dst(%dma_wait3A_566 : memref<128x8xf32, #tpu.memory_space<vmem>>)
    %dma_wait3A_576 = arith.constant 0 : i32
    %dma_wait3A_577 = arith.constant 2560 : i32
    %dma_wait3A_578 = arith.constant 0 : i32
    %dma_wait3A_579 = tpu.memref_slice %arg7[%dma_wait3A_577, %dma_wait3A_578] : memref<3072x8xf32, #tpu.memory_space<vmem>> -> memref<128x8xf32, #tpu.memory_space<vmem>>
    %dma_wait3A_580 = arith.constant 0 : i32
    %dma_wait3A_581 = tpu.memref_slice %arg6[%dma_wait3A_576, %dma_wait3A_580] : memref<4x128xi32, #tpu.memory_space<vmem>> -> memref<1x128xi32, #tpu.memory_space<vmem>>
    %dma_wait3A_582 = tpu.memref_squeeze %dma_wait3A_581 : memref<1x128xi32, #tpu.memory_space<vmem>> -> memref<128xi32, #tpu.memory_space<vmem>>
    %dma_wait3A_583 = arith.constant 80 : i32
    %dma_wait3A_584 = arith.constant 0 : i32
    %dma_wait3A_585 = tpu.memref_slice %arg3[%dma_wait3A_583, %dma_wait3A_584] : memref<100096x8xf32, #tpu.memory_space<hbm>> -> memref<99984x8xf32, #tpu.memory_space<hbm>>
    %dma_wait3A_586 = arith.constant 0 : i32
    %dma_wait3A_587 = arith.constant 0 : i32
    %dma_wait3A_588 = tpu.memref_slice %dma_wait3A_585[%dma_wait3A_586, %dma_wait3A_587] : memref<99984x8xf32, #tpu.memory_space<hbm>> -> memref<99984x8xf32, #tpu.memory_space<hbm>>
    tpu.wait_indirect_dma semaphore(%arg9 : memref<!tpu.dma_semaphore, #tpu.memory_space<semaphore_mem>>) src(%dma_wait3A_588 : memref<99984x8xf32, #tpu.memory_space<hbm>>) dst(%dma_wait3A_579 : memref<128x8xf32, #tpu.memory_space<vmem>>)
    %dma_wait3A_589 = arith.constant 1 : i32
    %dma_wait3A_590 = arith.constant 2688 : i32
    %dma_wait3A_591 = arith.constant 0 : i32
    %dma_wait3A_592 = tpu.memref_slice %arg7[%dma_wait3A_590, %dma_wait3A_591] : memref<3072x8xf32, #tpu.memory_space<vmem>> -> memref<128x8xf32, #tpu.memory_space<vmem>>
    %dma_wait3A_593 = arith.constant 0 : i32
    %dma_wait3A_594 = tpu.memref_slice %arg6[%dma_wait3A_589, %dma_wait3A_593] : memref<4x128xi32, #tpu.memory_space<vmem>> -> memref<1x128xi32, #tpu.memory_space<vmem>>
    %dma_wait3A_595 = tpu.memref_squeeze %dma_wait3A_594 : memref<1x128xi32, #tpu.memory_space<vmem>> -> memref<128xi32, #tpu.memory_space<vmem>>
    %dma_wait3A_596 = arith.constant 80 : i32
    %dma_wait3A_597 = arith.constant 0 : i32
    %dma_wait3A_598 = tpu.memref_slice %arg3[%dma_wait3A_596, %dma_wait3A_597] : memref<100096x8xf32, #tpu.memory_space<hbm>> -> memref<99984x8xf32, #tpu.memory_space<hbm>>
    %dma_wait3A_599 = arith.constant 0 : i32
    %dma_wait3A_600 = arith.constant 0 : i32
    %dma_wait3A_601 = tpu.memref_slice %dma_wait3A_598[%dma_wait3A_599, %dma_wait3A_600] : memref<99984x8xf32, #tpu.memory_space<hbm>> -> memref<99984x8xf32, #tpu.memory_space<hbm>>
    tpu.wait_indirect_dma semaphore(%arg9 : memref<!tpu.dma_semaphore, #tpu.memory_space<semaphore_mem>>) src(%dma_wait3A_601 : memref<99984x8xf32, #tpu.memory_space<hbm>>) dst(%dma_wait3A_592 : memref<128x8xf32, #tpu.memory_space<vmem>>)
    %dma_wait3A_602 = arith.constant 2 : i32
    %dma_wait3A_603 = arith.constant 2816 : i32
    %dma_wait3A_604 = arith.constant 0 : i32
    %dma_wait3A_605 = tpu.memref_slice %arg7[%dma_wait3A_603, %dma_wait3A_604] : memref<3072x8xf32, #tpu.memory_space<vmem>> -> memref<128x8xf32, #tpu.memory_space<vmem>>
    %dma_wait3A_606 = arith.constant 0 : i32
    %dma_wait3A_607 = tpu.memref_slice %arg6[%dma_wait3A_602, %dma_wait3A_606] : memref<4x128xi32, #tpu.memory_space<vmem>> -> memref<1x128xi32, #tpu.memory_space<vmem>>
    %dma_wait3A_608 = tpu.memref_squeeze %dma_wait3A_607 : memref<1x128xi32, #tpu.memory_space<vmem>> -> memref<128xi32, #tpu.memory_space<vmem>>
    %dma_wait3A_609 = arith.constant 80 : i32
    %dma_wait3A_610 = arith.constant 0 : i32
    %dma_wait3A_611 = tpu.memref_slice %arg3[%dma_wait3A_609, %dma_wait3A_610] : memref<100096x8xf32, #tpu.memory_space<hbm>> -> memref<99984x8xf32, #tpu.memory_space<hbm>>
    %dma_wait3A_612 = arith.constant 0 : i32
    %dma_wait3A_613 = arith.constant 0 : i32
    %dma_wait3A_614 = tpu.memref_slice %dma_wait3A_611[%dma_wait3A_612, %dma_wait3A_613] : memref<99984x8xf32, #tpu.memory_space<hbm>> -> memref<99984x8xf32, #tpu.memory_space<hbm>>
    tpu.wait_indirect_dma semaphore(%arg9 : memref<!tpu.dma_semaphore, #tpu.memory_space<semaphore_mem>>) src(%dma_wait3A_614 : memref<99984x8xf32, #tpu.memory_space<hbm>>) dst(%dma_wait3A_605 : memref<128x8xf32, #tpu.memory_space<vmem>>)
    %dma_wait3A_615 = arith.constant 3 : i32
    %dma_wait3A_616 = arith.constant 2944 : i32
    %dma_wait3A_617 = arith.constant 0 : i32
    %dma_wait3A_618 = tpu.memref_slice %arg7[%dma_wait3A_616, %dma_wait3A_617] : memref<3072x8xf32, #tpu.memory_space<vmem>> -> memref<128x8xf32, #tpu.memory_space<vmem>>
    %dma_wait3A_619 = arith.constant 0 : i32
    %dma_wait3A_620 = tpu.memref_slice %arg6[%dma_wait3A_615, %dma_wait3A_619] : memref<4x128xi32, #tpu.memory_space<vmem>> -> memref<1x128xi32, #tpu.memory_space<vmem>>
    %dma_wait3A_621 = tpu.memref_squeeze %dma_wait3A_620 : memref<1x128xi32, #tpu.memory_space<vmem>> -> memref<128xi32, #tpu.memory_space<vmem>>
    %dma_wait3A_622 = arith.constant 80 : i32
    %dma_wait3A_623 = arith.constant 0 : i32
    %dma_wait3A_624 = tpu.memref_slice %arg3[%dma_wait3A_622, %dma_wait3A_623] : memref<100096x8xf32, #tpu.memory_space<hbm>> -> memref<99984x8xf32, #tpu.memory_space<hbm>>
    %dma_wait3A_625 = arith.constant 0 : i32
    %dma_wait3A_626 = arith.constant 0 : i32
    %dma_wait3A_627 = tpu.memref_slice %dma_wait3A_624[%dma_wait3A_625, %dma_wait3A_626] : memref<99984x8xf32, #tpu.memory_space<hbm>> -> memref<99984x8xf32, #tpu.memory_space<hbm>>
    tpu.wait_indirect_dma semaphore(%arg9 : memref<!tpu.dma_semaphore, #tpu.memory_space<semaphore_mem>>) src(%dma_wait3A_627 : memref<99984x8xf32, #tpu.memory_space<hbm>>) dst(%dma_wait3A_618 : memref<128x8xf32, #tpu.memory_space<vmem>>)
    %scan3A_628 = arith.constant 0 : i32
    %scan3A_629 = arith.constant 0 : i32
    %scan3A_630 = arith.constant 32 : i32
    %scan3A_631 = arith.addi %scan3A_629, %scan3A_630 : i32
    %scan3A_632 = arith.constant 1 : i32
    scf.for %scan3A_638 = %scan3A_629 to %scan3A_631 step %scan3A_632  : i32 {
      %shift_right_arithmetic3A = arith.constant 3 : i32
      %shift_right_arithmetic3A_639 = arith.shrsi %scan3A_638, %shift_right_arithmetic3A : i32
      %and3A = arith.constant 7 : i32
      %and3A_640 = arith.andi %scan3A_638, %and3A : i32
      %mul3A_641 = arith.constant 16 : i32
      %mul3A_642 = arith.muli %and3A_640, %mul3A_641 : i32
      %get3A = arith.index_cast %shift_right_arithmetic3A_639 : i32 to index
      %get3A_643 = arith.index_cast %mul3A_642 : i32 to index
      %get3A_644 = tpu.vector_load %arg5[%get3A, %get3A_643] {strides = array<i32>} : memref<4x128xi32, #tpu.memory_space<vmem>>, vector<16xi32>,
      %and3A_645 = arith.constant 7 : i32
      %and3A_646 = vector.broadcast %and3A_645 : i32 to vector<16xi32>
      %and3A_647 = arith.andi %get3A_644, %and3A_646 : vector<16xi32>
      %add3A_648 = arith.constant 0 : i32
      %add3A_649 = arith.addi %add3A_648, %shift_right_arithmetic3A_639 : i32
      %mul3A_650 = arith.constant 128 : i32
      %mul3A_651 = arith.muli %add3A_649, %mul3A_650 : i32
      %add3A_652 = arith.addi %mul3A_651, %mul3A_642 : i32
      %add3A_653 = vector.broadcast %add3A_652 : i32 to vector<16xi32>
      %add3A_654 = arith.addi %add3A_653, %iota3A : vector<16xi32>
      %gather3A = tpu.vector_load_idx %arg7[%add3A_654, %and3A_647] : memref<3072x8xf32, #tpu.memory_space<vmem>>[vector<16xi32>, vector<16xi32>], vector<16xf32>,
      %add3A_655 = arith.constant 4 : i32
      %add3A_656 = arith.addi %add3A_655, %shift_right_arithmetic3A_639 : i32
      %mul3A_657 = arith.constant 128 : i32
      %mul3A_658 = arith.muli %add3A_656, %mul3A_657 : i32
      %add3A_659 = arith.addi %mul3A_658, %mul3A_642 : i32
      %add3A_660 = vector.broadcast %add3A_659 : i32 to vector<16xi32>
      %add3A_661 = arith.addi %add3A_660, %iota3A : vector<16xi32>
      %gather3A_662 = tpu.vector_load_idx %arg7[%add3A_661, %and3A_647] : memref<3072x8xf32, #tpu.memory_space<vmem>>[vector<16xi32>, vector<16xi32>], vector<16xf32>,
      %add3A_663 = arith.constant 8 : i32
      %add3A_664 = arith.addi %add3A_663, %shift_right_arithmetic3A_639 : i32
      %mul3A_665 = arith.constant 128 : i32
      %mul3A_666 = arith.muli %add3A_664, %mul3A_665 : i32
      %add3A_667 = arith.addi %mul3A_666, %mul3A_642 : i32
      %add3A_668 = vector.broadcast %add3A_667 : i32 to vector<16xi32>
      %add3A_669 = arith.addi %add3A_668, %iota3A : vector<16xi32>
      %gather3A_670 = tpu.vector_load_idx %arg7[%add3A_669, %and3A_647] : memref<3072x8xf32, #tpu.memory_space<vmem>>[vector<16xi32>, vector<16xi32>], vector<16xf32>,
      %add3A_671 = arith.constant 12 : i32
      %add3A_672 = arith.addi %add3A_671, %shift_right_arithmetic3A_639 : i32
      %mul3A_673 = arith.constant 128 : i32
      %mul3A_674 = arith.muli %add3A_672, %mul3A_673 : i32
      %add3A_675 = arith.addi %mul3A_674, %mul3A_642 : i32
      %add3A_676 = vector.broadcast %add3A_675 : i32 to vector<16xi32>
      %add3A_677 = arith.addi %add3A_676, %iota3A : vector<16xi32>
      %gather3A_678 = tpu.vector_load_idx %arg7[%add3A_677, %and3A_647] : memref<3072x8xf32, #tpu.memory_space<vmem>>[vector<16xi32>, vector<16xi32>], vector<16xf32>,
      %add3A_679 = arith.constant 16 : i32
      %add3A_680 = arith.addi %add3A_679, %shift_right_arithmetic3A_639 : i32
      %mul3A_681 = arith.constant 128 : i32
      %mul3A_682 = arith.muli %add3A_680, %mul3A_681 : i32
      %add3A_683 = arith.addi %mul3A_682, %mul3A_642 : i32
      %add3A_684 = vector.broadcast %add3A_683 : i32 to vector<16xi32>
      %add3A_685 = arith.addi %add3A_684, %iota3A : vector<16xi32>
      %gather3A_686 = tpu.vector_load_idx %arg7[%add3A_685, %and3A_647] : memref<3072x8xf32, #tpu.memory_space<vmem>>[vector<16xi32>, vector<16xi32>], vector<16xf32>,
      %add3A_687 = arith.constant 20 : i32
      %add3A_688 = arith.addi %add3A_687, %shift_right_arithmetic3A_639 : i32
      %mul3A_689 = arith.constant 128 : i32
      %mul3A_690 = arith.muli %add3A_688, %mul3A_689 : i32
      %add3A_691 = arith.addi %mul3A_690, %mul3A_642 : i32
      %add3A_692 = vector.broadcast %add3A_691 : i32 to vector<16xi32>
      %add3A_693 = arith.addi %add3A_692, %iota3A : vector<16xi32>
      %gather3A_694 = tpu.vector_load_idx %arg7[%add3A_693, %and3A_647] : memref<3072x8xf32, #tpu.memory_space<vmem>>[vector<16xi32>, vector<16xi32>], vector<16xf32>,
      %mul3A_695 = arith.mulf %gather3A_678, %gather3A_678 : vector<16xf32>
      %mul3A_696 = arith.mulf %gather3A_686, %gather3A_686 : vector<16xf32>
      %add3A_697 = arith.addf %mul3A_695, %mul3A_696 : vector<16xf32>
      %mul3A_698 = arith.mulf %gather3A_694, %gather3A_694 : vector<16xf32>
      %add3A_699 = arith.addf %add3A_697, %mul3A_698 : vector<16xf32>
      %max3A = arith.constant 9.99999974E-5 : f32
      %max3A_700 = vector.broadcast %max3A : f32 to vector<16xf32>
      %max3A_701 = arith.maximumf %add3A_699, %max3A_700 : vector<16xf32>
      %mul3A_702 = arith.constant 2.75573188E-6 : f32
      %mul3A_703 = vector.broadcast %mul3A_702 : f32 to vector<16xf32>
      %mul3A_704 = arith.mulf %max3A_701, %mul3A_703 : vector<16xf32>
      %add3A_705 = arith.constant -1.98412701E-4 : f32
      %add3A_706 = vector.broadcast %add3A_705 : f32 to vector<16xf32>
      %add3A_707 = arith.addf %add3A_706, %mul3A_704 : vector<16xf32>
      %mul3A_708 = arith.mulf %max3A_701, %add3A_707 : vector<16xf32>
      %add3A_709 = arith.constant 0.00833333377 : f32
      %add3A_710 = vector.broadcast %add3A_709 : f32 to vector<16xf32>
      %add3A_711 = arith.addf %add3A_710, %mul3A_708 : vector<16xf32>
      %mul3A_712 = arith.mulf %max3A_701, %add3A_711 : vector<16xf32>
      %add3A_713 = arith.constant -0.166666672 : f32
      %add3A_714 = vector.broadcast %add3A_713 : f32 to vector<16xf32>
      %add3A_715 = arith.addf %add3A_714, %mul3A_712 : vector<16xf32>
      %mul3A_716 = arith.mulf %max3A_701, %add3A_715 : vector<16xf32>
      %add3A_717 = arith.constant 1.000000e+00 : f32
      %add3A_718 = vector.broadcast %add3A_717 : f32 to vector<16xf32>
      %add3A_719 = arith.addf %add3A_718, %mul3A_716 : vector<16xf32>
      %mul3A_720 = arith.constant 2.755732E-7 : f32
      %mul3A_721 = vector.broadcast %mul3A_720 : f32 to vector<16xf32>
      %mul3A_722 = arith.mulf %max3A_701, %mul3A_721 : vector<16xf32>
      %add3A_723 = arith.constant -2.48015876E-5 : f32
      %add3A_724 = vector.broadcast %add3A_723 : f32 to vector<16xf32>
      %add3A_725 = arith.addf %add3A_724, %mul3A_722 : vector<16xf32>
      %mul3A_726 = arith.mulf %max3A_701, %add3A_725 : vector<16xf32>
      %add3A_727 = arith.constant 0.00138888892 : f32
      %add3A_728 = vector.broadcast %add3A_727 : f32 to vector<16xf32>
      %add3A_729 = arith.addf %add3A_728, %mul3A_726 : vector<16xf32>
      %mul3A_730 = arith.mulf %max3A_701, %add3A_729 : vector<16xf32>
      %add3A_731 = arith.constant -0.0416666679 : f32
      %add3A_732 = vector.broadcast %add3A_731 : f32 to vector<16xf32>
      %add3A_733 = arith.addf %add3A_732, %mul3A_730 : vector<16xf32>
      %mul3A_734 = arith.mulf %max3A_701, %add3A_733 : vector<16xf32>
      %add3A_735 = arith.constant 5.000000e-01 : f32
      %add3A_736 = vector.broadcast %add3A_735 : f32 to vector<16xf32>
      %add3A_737 = arith.addf %add3A_736, %mul3A_734 : vector<16xf32>
      %mul3A_738 = arith.mulf %add3A_719, %gather3A_678 : vector<16xf32>
      %mul3A_739 = arith.mulf %add3A_719, %gather3A_686 : vector<16xf32>
      %mul3A_740 = arith.mulf %add3A_719, %gather3A_694 : vector<16xf32>
      %mul3A_741 = arith.mulf %add3A_737, %gather3A_678 : vector<16xf32>
      %mul3A_742 = arith.mulf %mul3A_741, %gather3A_686 : vector<16xf32>
      %mul3A_743 = arith.mulf %add3A_737, %gather3A_678 : vector<16xf32>
      %mul3A_744 = arith.mulf %mul3A_743, %gather3A_694 : vector<16xf32>
      %mul3A_745 = arith.mulf %add3A_737, %gather3A_686 : vector<16xf32>
      %mul3A_746 = arith.mulf %mul3A_745, %gather3A_694 : vector<16xf32>
      %mul3A_747 = arith.mulf %gather3A_678, %gather3A_678 : vector<16xf32>
      %sub3A = arith.subf %mul3A_747, %max3A_701 : vector<16xf32>
      %mul3A_748 = arith.mulf %add3A_737, %sub3A : vector<16xf32>
      %add3A_749 = arith.constant 1.000000e+00 : f32
      %add3A_750 = vector.broadcast %add3A_749 : f32 to vector<16xf32>
      %add3A_751 = arith.addf %add3A_750, %mul3A_748 : vector<16xf32>
      %mul3A_752 = arith.mulf %gather3A_686, %gather3A_686 : vector<16xf32>
      %sub3A_753 = arith.subf %mul3A_752, %max3A_701 : vector<16xf32>
      %mul3A_754 = arith.mulf %add3A_737, %sub3A_753 : vector<16xf32>
      %add3A_755 = arith.constant 1.000000e+00 : f32
      %add3A_756 = vector.broadcast %add3A_755 : f32 to vector<16xf32>
      %add3A_757 = arith.addf %add3A_756, %mul3A_754 : vector<16xf32>
      %mul3A_758 = arith.mulf %gather3A_694, %gather3A_694 : vector<16xf32>
      %sub3A_759 = arith.subf %mul3A_758, %max3A_701 : vector<16xf32>
      %mul3A_760 = arith.mulf %add3A_737, %sub3A_759 : vector<16xf32>
      %add3A_761 = arith.constant 1.000000e+00 : f32
      %add3A_762 = vector.broadcast %add3A_761 : f32 to vector<16xf32>
      %add3A_763 = arith.addf %add3A_762, %mul3A_760 : vector<16xf32>
      %sub3A_764 = arith.subf %mul3A_742, %mul3A_740 : vector<16xf32>
      %add3A_765 = arith.addf %mul3A_744, %mul3A_739 : vector<16xf32>
      %add3A_766 = arith.addf %mul3A_742, %mul3A_740 : vector<16xf32>
      %sub3A_767 = arith.subf %mul3A_746, %mul3A_738 : vector<16xf32>
      %sub3A_768 = arith.subf %mul3A_744, %mul3A_739 : vector<16xf32>
      %add3A_769 = arith.addf %mul3A_746, %mul3A_738 : vector<16xf32>
      %shift_right_arithmetic3A_770 = arith.constant 3 : i32
      %shift_right_arithmetic3A_771 = arith.shrsi %scan3A_638, %shift_right_arithmetic3A_770 : i32
      %mul3A_772 = arith.constant 512 : i32
      %mul3A_773 = arith.muli %shift_right_arithmetic3A_771, %mul3A_772 : i32
      %and3A_774 = arith.constant 7 : i32
      %and3A_775 = arith.andi %scan3A_638, %and3A_774 : i32
      %mul3A_776 = arith.constant 16 : i32
      %mul3A_777 = arith.muli %and3A_775, %mul3A_776 : i32
      %add3A_778 = arith.addi %mul3A_773, %mul3A_777 : i32
      %add3A_779 = arith.constant 0 : i32
      %add3A_780 = arith.addi %add3A_779, %add3A_778 : i32
      %swap3A = arith.constant 0 : i32
      %swap3A_781 = arith.index_cast %swap3A : i32 to index
      %swap3A_782 = arith.index_cast %add3A_780 : i32 to index
      %swap3A_783 = tpu.vector_load %arg8[%swap3A_781, %swap3A_782] {strides = array<i32>} : memref<3x2048xf32, #tpu.memory_space<vmem>>, vector<16xf32>,
      tpu.vector_store %arg8[%swap3A_781, %swap3A_782], %add3A_751 {strides = array<i32>} : memref<3x2048xf32, #tpu.memory_space<vmem>>, vector<16xf32>,
      %add3A_784 = arith.constant 128 : i32
      %add3A_785 = arith.addi %add3A_784, %add3A_778 : i32
      %swap3A_786 = arith.constant 0 : i32
      %swap3A_787 = arith.index_cast %swap3A_786 : i32 to index
      %swap3A_788 = arith.index_cast %add3A_785 : i32 to index
      %swap3A_789 = tpu.vector_load %arg8[%swap3A_787, %swap3A_788] {strides = array<i32>} : memref<3x2048xf32, #tpu.memory_space<vmem>>, vector<16xf32>,
      tpu.vector_store %arg8[%swap3A_787, %swap3A_788], %sub3A_764 {strides = array<i32>} : memref<3x2048xf32, #tpu.memory_space<vmem>>, vector<16xf32>,
      %add3A_790 = arith.constant 256 : i32
      %add3A_791 = arith.addi %add3A_790, %add3A_778 : i32
      %swap3A_792 = arith.constant 0 : i32
      %swap3A_793 = arith.index_cast %swap3A_792 : i32 to index
      %swap3A_794 = arith.index_cast %add3A_791 : i32 to index
      %swap3A_795 = tpu.vector_load %arg8[%swap3A_793, %swap3A_794] {strides = array<i32>} : memref<3x2048xf32, #tpu.memory_space<vmem>>, vector<16xf32>,
      tpu.vector_store %arg8[%swap3A_793, %swap3A_794], %add3A_765 {strides = array<i32>} : memref<3x2048xf32, #tpu.memory_space<vmem>>, vector<16xf32>,
      %add3A_796 = arith.constant 384 : i32
      %add3A_797 = arith.addi %add3A_796, %add3A_778 : i32
      %swap3A_798 = arith.constant 0 : i32
      %swap3A_799 = arith.index_cast %swap3A_798 : i32 to index
      %swap3A_800 = arith.index_cast %add3A_797 : i32 to index
      %swap3A_801 = tpu.vector_load %arg8[%swap3A_799, %swap3A_800] {strides = array<i32>} : memref<3x2048xf32, #tpu.memory_space<vmem>>, vector<16xf32>,
      tpu.vector_store %arg8[%swap3A_799, %swap3A_800], %gather3A {strides = array<i32>} : memref<3x2048xf32, #tpu.memory_space<vmem>>, vector<16xf32>,
      %add3A_802 = arith.constant 0 : i32
      %add3A_803 = arith.addi %add3A_802, %add3A_778 : i32
      %swap3A_804 = arith.constant 1 : i32
      %swap3A_805 = arith.index_cast %swap3A_804 : i32 to index
      %swap3A_806 = arith.index_cast %add3A_803 : i32 to index
      %swap3A_807 = tpu.vector_load %arg8[%swap3A_805, %swap3A_806] {strides = array<i32>} : memref<3x2048xf32, #tpu.memory_space<vmem>>, vector<16xf32>,
      tpu.vector_store %arg8[%swap3A_805, %swap3A_806], %add3A_766 {strides = array<i32>} : memref<3x2048xf32, #tpu.memory_space<vmem>>, vector<16xf32>,
      %add3A_808 = arith.constant 128 : i32
      %add3A_809 = arith.addi %add3A_808, %add3A_778 : i32
      %swap3A_810 = arith.constant 1 : i32
      %swap3A_811 = arith.index_cast %swap3A_810 : i32 to index
      %swap3A_812 = arith.index_cast %add3A_809 : i32 to index
      %swap3A_813 = tpu.vector_load %arg8[%swap3A_811, %swap3A_812] {strides = array<i32>} : memref<3x2048xf32, #tpu.memory_space<vmem>>, vector<16xf32>,
      tpu.vector_store %arg8[%swap3A_811, %swap3A_812], %add3A_757 {strides = array<i32>} : memref<3x2048xf32, #tpu.memory_space<vmem>>, vector<16xf32>,
      %add3A_814 = arith.constant 256 : i32
      %add3A_815 = arith.addi %add3A_814, %add3A_778 : i32
      %swap3A_816 = arith.constant 1 : i32
      %swap3A_817 = arith.index_cast %swap3A_816 : i32 to index
      %swap3A_818 = arith.index_cast %add3A_815 : i32 to index
      %swap3A_819 = tpu.vector_load %arg8[%swap3A_817, %swap3A_818] {strides = array<i32>} : memref<3x2048xf32, #tpu.memory_space<vmem>>, vector<16xf32>,
      tpu.vector_store %arg8[%swap3A_817, %swap3A_818], %sub3A_767 {strides = array<i32>} : memref<3x2048xf32, #tpu.memory_space<vmem>>, vector<16xf32>,
      %add3A_820 = arith.constant 384 : i32
      %add3A_821 = arith.addi %add3A_820, %add3A_778 : i32
      %swap3A_822 = arith.constant 1 : i32
      %swap3A_823 = arith.index_cast %swap3A_822 : i32 to index
      %swap3A_824 = arith.index_cast %add3A_821 : i32 to index
      %swap3A_825 = tpu.vector_load %arg8[%swap3A_823, %swap3A_824] {strides = array<i32>} : memref<3x2048xf32, #tpu.memory_space<vmem>>, vector<16xf32>,
      tpu.vector_store %arg8[%swap3A_823, %swap3A_824], %gather3A_662 {strides = array<i32>} : memref<3x2048xf32, #tpu.memory_space<vmem>>, vector<16xf32>,
      %add3A_826 = arith.constant 0 : i32
      %add3A_827 = arith.addi %add3A_826, %add3A_778 : i32
      %swap3A_828 = arith.constant 2 : i32
      %swap3A_829 = arith.index_cast %swap3A_828 : i32 to index
      %swap3A_830 = arith.index_cast %add3A_827 : i32 to index
      %swap3A_831 = tpu.vector_load %arg8[%swap3A_829, %swap3A_830] {strides = array<i32>} : memref<3x2048xf32, #tpu.memory_space<vmem>>, vector<16xf32>,
      tpu.vector_store %arg8[%swap3A_829, %swap3A_830], %sub3A_768 {strides = array<i32>} : memref<3x2048xf32, #tpu.memory_space<vmem>>, vector<16xf32>,
      %add3A_832 = arith.constant 128 : i32
      %add3A_833 = arith.addi %add3A_832, %add3A_778 : i32
      %swap3A_834 = arith.constant 2 : i32
      %swap3A_835 = arith.index_cast %swap3A_834 : i32 to index
      %swap3A_836 = arith.index_cast %add3A_833 : i32 to index
      %swap3A_837 = tpu.vector_load %arg8[%swap3A_835, %swap3A_836] {strides = array<i32>} : memref<3x2048xf32, #tpu.memory_space<vmem>>, vector<16xf32>,
      tpu.vector_store %arg8[%swap3A_835, %swap3A_836], %add3A_769 {strides = array<i32>} : memref<3x2048xf32, #tpu.memory_space<vmem>>, vector<16xf32>,
      %add3A_838 = arith.constant 256 : i32
      %add3A_839 = arith.addi %add3A_838, %add3A_778 : i32
      %swap3A_840 = arith.constant 2 : i32
      %swap3A_841 = arith.index_cast %swap3A_840 : i32 to index
      %swap3A_842 = arith.index_cast %add3A_839 : i32 to index
      %swap3A_843 = tpu.vector_load %arg8[%swap3A_841, %swap3A_842] {strides = array<i32>} : memref<3x2048xf32, #tpu.memory_space<vmem>>, vector<16xf32>,
      tpu.vector_store %arg8[%swap3A_841, %swap3A_842], %add3A_763 {strides = array<i32>} : memref<3x2048xf32, #tpu.memory_space<vmem>>, vector<16xf32>,
      %add3A_844 = arith.constant 384 : i32
      %add3A_845 = arith.addi %add3A_844, %add3A_778 : i32
      %swap3A_846 = arith.constant 2 : i32
      %swap3A_847 = arith.index_cast %swap3A_846 : i32 to index
      %swap3A_848 = arith.index_cast %add3A_845 : i32 to index
      %swap3A_849 = tpu.vector_load %arg8[%swap3A_847, %swap3A_848] {strides = array<i32>} : memref<3x2048xf32, #tpu.memory_space<vmem>>, vector<16xf32>,
      tpu.vector_store %arg8[%swap3A_847, %swap3A_848], %gather3A_670 {strides = array<i32>} : memref<3x2048xf32, #tpu.memory_space<vmem>>, vector<16xf32>,
    }
    %scan3A_633 = arith.constant 32 : i32
    %mul3A_634 = arith.constant 16 : i32
    %mul3A_635 = arith.muli %add3A, %mul3A_634 : i32
    %mul3A_636 = arith.constant 128 : i32
    %mul3A_637 = arith.muli %mul3A_635, %mul3A_636 : i32
    "tpu.region"() ({
      %run_scoped3A = tpu.sem_alloc : memref<!tpu.dma_semaphore, #tpu.memory_space<semaphore_mem>>
      %dma_start3A_638 = arith.constant 0 : i32
      %dma_start3A_639 = tpu.memref_slice %arg4[%dma_start3A_638, %mul3A_637] : memref<3x65536xf32, #tpu.memory_space<hbm>> -> memref<3x2048xf32, #tpu.memory_space<hbm>>
      %dma_start3A_640 = arith.constant 0 : i32
      %dma_start3A_641 = tpu.memref_slice %arg4[%dma_start3A_640, %mul3A_637] : memref<3x65536xf32, #tpu.memory_space<hbm>> -> memref<3x2048xf32, #tpu.memory_space<hbm>>
      tpu.enqueue_dma source(%arg8 : memref<3x2048xf32, #tpu.memory_space<vmem>>) target(%dma_start3A_641 : memref<3x2048xf32, #tpu.memory_space<hbm>>) target_semaphore(%run_scoped3A : memref<!tpu.dma_semaphore, #tpu.memory_space<semaphore_mem>>)
      %dma_wait3A_642 = arith.constant 0 : i32
      %dma_wait3A_643 = tpu.memref_slice %arg4[%dma_wait3A_642, %mul3A_637] : memref<3x65536xf32, #tpu.memory_space<hbm>> -> memref<3x2048xf32, #tpu.memory_space<hbm>>
      %dma_wait3A_644 = arith.constant 0 : i32
      %dma_wait3A_645 = tpu.memref_slice %arg4[%dma_wait3A_644, %mul3A_637] : memref<3x65536xf32, #tpu.memory_space<hbm>> -> memref<3x2048xf32, #tpu.memory_space<hbm>>
      tpu.wait_dma2 semaphore(%run_scoped3A : memref<!tpu.dma_semaphore, #tpu.memory_space<semaphore_mem>>) src(%arg8 : memref<3x2048xf32, #tpu.memory_space<vmem>>) dst(%dma_wait3A_645 : memref<3x2048xf32, #tpu.memory_space<hbm>>)
      tpu.yield
    }) : () -> ()
    return
  }
}

</mosaic_0001>

<sc_bundles>
// kernel: kernel.3.cloned.1.call-start
scs
__scs_entry_jumppad:
0x0: {  	(pc) =	sbr.rel $0x88, $3  }
0x1: {  	(tag) =	ssettag $0x0;
	lr =	simm.s32 $0x1  }
0x2: {  	[smem:$0x3F9F] =	sst lr;
	_ =	strace $0xD0000000  }
0x3: {  	_ = 	snop  }
0x4: {  	_ = 	snop  }
0x5: {  	_ = 	snop  }
0x6: {  	_ = 	snop  }
0x7: {  	_ = 	snop  }
__scs_overlays_trampoline_lowered:
0x8: {  	[smem:$0x3FAE] =	sst s0  }
0x9: {  	[smem:$0x3FAF] =	sst s1  }
0xa: {  	[smem:$0x3FB0] =	sst s2  }
0xb: {  	[smem:$0x3FB1] =	sst s3  }
0xc: {  	[smem:$0x3FB2] =	sst s4  }
0xd: {  	[smem:$0x3FB3] =	sst s5  }
0xe: {  	[smem:$0x3FB4] =	sst s6  }
0xf: {  	[smem:$0x3FB5] =	sst s7  }
0x10: {  	[smem:$0x3FB6] =	sst s8  }
0x11: {  	[smem:$0x3FB7] =	sst s9;
	s0 =	simm.s32 @!p0 $0x0  }
0x12: {  	s1 =	sld [smem:$0x3F9D];
	s0 =	simm.s32 @p0 $0x1  }
0x13: {  	[smem:$0x3FB8] =	sst s0;
	s0 =	simm.s32 @!p1 $0x0  }
0x14: {  	s2 =	sld [smem:$0x3F9C];
	s0 =	simm.s32 @p1 $0x1  }
0x15: {  	[smem:$0x3FB9] =	sst s0;
	s0 =	simm.s32 @!p2 $0x0  }
0x16: {  	s3 =	sld [smem:$0x3FDB];
	s0 =	simm.s32 @p2 $0x1  }
0x17: {  	s4 =	simm.s32 $0x1BF5;
	[smem:$0x3FBB] =	sst s0  }
0x18: {  	s0 =	sld [smem:$0x3F9E];
	_ =	swait.ge [sflag:s4], $0x0  }
0x19: {  	s7 =	sld [smem:$0x3F9F]  }
0x1a: {  	s8 =	sadd.s32 $0xFFFFE003, lr  }
0x1b: {  	s9 =	sadd.s32 $0xFFFFFEF7, lr;
	s5 =	simm.s32 $0xFFFFFFFF;
	p2 =	slt.u32 s8, $0xFFFFF086  }
0x1c: {  	p1 =	slt.u32 s9, $0xF7A;
	s5 =	simm.s32 @!p2 $0x0  }
0x1d: {  	s5 =	simm.s32 @p1 $0x1;
	p0 =	seq.s32 s7, s2  }
0x1e: {  	s7 =	smul.u32 @!p0 $0xF7A, s2;
	p2 =	seq.s32 @!p0 s5, $0x0  }
0x1f: {  	s9 =	smul.u32 $0xF7A, s1;
	s8 =	simm.s32 @!p0 $0x1BF5;
	p2 =	por !p2, p0  }
0x20: {  	[sflag:s8] =	ssyncset.s32 @!p0 $0xFFFFF086;
	s6 =	sadd.s32 @!p0 s3, s7;
	s7 =	simm.s32 @!p0 $0x108  }
0x21: {  	s3 =	sadd.s32 s3, s9;
	s6 =	sadd.s32 @!p0 $0x88, s6;
	s7 =	simm.s32 @p2 $0x1082  }
0x22: {  	[simem:s7], [sflag:s8] =	dma.local @!p0 [hbm:s6], $0xF7A  }
0x23: {  	s9 =	sor.u32 $0xD0000000, s2;
	s6 =	simm.s32 $0x108;
	_ =	swait.ge @!p0 [sflag:s8], $0x0  }
0x24: {  	s3 =	sadd.s32 $0x88, s3;
	s6 =	simm.s32 @!p1 $0x1082;
	[sflag:s4] =	ssyncset.s32 $0xFFFFF086  }
0x25: {  	[simem:s6], [sflag:s4] =	dma.local [hbm:s3], $0xF7A  }
0x26: {  	[smem:$0x3F9F] =	sst s1;
	(tag) =	ssettag s2;
	_ =	strace s9  }
0x27: {  	s1 =	sld [smem:$0x3FAF]  }
0x28: {  	s2 =	sld [smem:$0x3FB0]  }
0x29: {  	s4 =	sld [smem:$0x3FB2]  }
0x2a: {  	p0 =	seq.s32 s5, $0x0;
	s5 =	sld [smem:$0x3FB3]  }
0x2b: {  	s6 =	sld [smem:$0x3FB4]  }
0x2c: {  	s7 =	sld [smem:$0x3FB5]  }
0x2d: {  	s3 =	simm.s32 $0x108;
	s8 =	sld [smem:$0x3FB6]  }
0x2e: {  	s3 =	simm.s32 @!p0 $0x1082;
	s9 =	sld [smem:$0x3FB7]  }
0x2f: {  	lr =	sadd.s32 s0, s3;
	s0 =	sld [smem:$0x3FAE]  }
0x30: {  	s3 =	sld [smem:$0x3FB1]  }
0x31: {  	[smem:$0x3FBA] =	sst s10  }
0x32: {  	s10 =	sld [smem:$0x3FB8];
	_ =	sdelay $0x3  }
0x33: {  	p0 =	seq.s32 s10, $0x1;
	s10 =	sld [smem:$0x3FBA];
	_ =	sdelay $0x3  }
0x34: {  	[smem:$0x3FBA] =	sst s10  }
0x35: {  	s10 =	sld [smem:$0x3FB9];
	_ =	sdelay $0x3  }
0x36: {  	p1 =	seq.s32 s10, $0x1;
	s10 =	sld [smem:$0x3FBA];
	_ =	sdelay $0x3  }
0x37: {  	[smem:$0x3FBA] =	sst s10  }
0x38: {  	s10 =	sld [smem:$0x3FBB]  }
0x39: {  	_ = 	snop;
	(pc) =	sbr.ind lr, $3  }
0x3a: {  	_ = 	snop  }
0x3b: {  	_ = 	snop  }
0x3c: {  	p2 =	seq.s32 s10, $0x1;
	s10 =	sld [smem:$0x3FBA]  }
0x3d: {  	_ =	shalt  }
0x3e: {  	_ =	shalt  }
0x3f: {  	_ =	shalt  }
0x40: {  	_ =	shalt  }
0x41: {  	_ =	shalt  }
0x42: {  	_ =	shalt  }
0x43: {  	_ =	shalt  }
0x44: {  	_ =	shalt  }
0x45: {  	_ =	shalt  }
0x46: {  	_ =	shalt  }
0x47: {  	_ =	shalt  }
0x48: {  	_ =	shalt  }
0x49: {  	_ =	shalt  }
0x4a: {  	_ =	shalt  }
0x4b: {  	_ =	shalt  }
0x4c: {  	_ =	shalt  }
0x4d: {  	_ =	shalt  }
0x4e: {  	_ =	shalt  }
0x4f: {  	_ =	shalt  }
0x50: {  	_ =	shalt  }
0x51: {  	_ =	shalt  }
0x52: {  	_ =	shalt  }
0x53: {  	_ =	shalt  }
0x54: {  	_ =	shalt  }
0x55: {  	_ =	shalt  }
0x56: {  	_ =	shalt  }
0x57: {  	_ =	shalt  }
0x58: {  	_ =	shalt  }
0x59: {  	_ =	shalt  }
0x5a: {  	_ =	shalt  }
0x5b: {  	_ =	shalt  }
0x5c: {  	_ =	shalt  }
0x5d: {  	_ =	shalt  }
0x5e: {  	_ =	shalt  }
0x5f: {  	_ =	shalt  }
0x60: {  	_ =	shalt  }
0x61: {  	_ =	shalt  }
0x62: {  	_ =	shalt  }
0x63: {  	_ =	shalt  }
0x64: {  	_ =	shalt  }
0x65: {  	_ =	shalt  }
0x66: {  	_ =	shalt  }
0x67: {  	_ =	shalt  }
0x68: {  	_ =	shalt  }
0x69: {  	_ =	shalt  }
0x6a: {  	_ =	shalt  }
0x6b: {  	_ =	shalt  }
0x6c: {  	_ =	shalt  }
0x6d: {  	_ =	shalt  }
0x6e: {  	_ =	shalt  }
0x6f: {  	_ =	shalt  }
0x70: {  	_ =	shalt  }
0x71: {  	_ =	shalt  }
0x72: {  	_ =	shalt  }
0x73: {  	_ =	shalt  }
0x74: {  	_ =	shalt  }
0x75: {  	_ =	shalt  }
0x76: {  	_ =	shalt  }
0x77: {  	_ =	shalt  }
0x78: {  	_ =	shalt  }
0x79: {  	_ =	shalt  }
0x7a: {  	_ =	shalt  }
0x7b: {  	_ =	shalt  }
0x7c: {  	_ =	shalt  }
0x7d: {  	_ =	shalt  }
0x7e: {  	_ =	shalt  }
0x7f: {  	_ =	shalt  }
0x80: {  	_ =	shalt  }
0x81: {  	_ =	shalt  }
0x82: {  	_ =	shalt  }
0x83: {  	_ =	shalt  }
0x84: {  	_ =	shalt  }
0x85: {  	_ =	shalt  }
0x86: {  	_ =	shalt  }
0x87: {  	_ =	shalt  }
.Lfunc_end0:
.L_simem_size_0:
called_computation_lowered:
.L_overlay_start_0:
0x88: {  	s2 =	sld [smem:$0x3FD9]  }
0x89: {  	s3 =	sld [smem:$0x3FFE];
	_ =	sdelay $0x1  }
0x8a: {  	s1 =	srdreg.scid  }
0x8b: {  	s0 =	sand.u32 $0x1, s1  }
0x8c: {  	s17 =	sshll.u32 s0, $0xA;
	s2 =	sadd.s32 s3, s2  }
0x8d: {  	s2 =	sadd.s32 s2, s17  }
0x8e: {  	[smem:$0x3FC6] =	sst s2  }
0x8f: {  	_ = 	snop  }
0x90: {  	s2 =	sld [smem:$0x3FC9]  }
0x91: {  	s18 =	sld [smem:$0x3FD0];
	(tm) =	ssettm $0x1  }
0x92: {  	s4 =	sld [smem:$0x3FFB];
	_ =	sdelay $0x3  }
0x93: {  	_ =	strace s4  }
0x94: {  	s4 =	sld [smem:$0x3FFC];
	_ =	sdelay $0x3  }
0x95: {  	_ =	strace s4  }
0x96: {  	s4 =	sld [smem:$0x3FFD];
	_ =	sdelay $0x3  }
0x97: {  	_ =	strace s4  }
0x98: {  	_ =	strace $0x8FFFFFFF  }
0x99: {  	s19 =	sld [smem:$0x3FDB];
	_ =	sdelay $0x1  }
0x9a: {  	s5 =	simm.s32 $_scs_section_size  }
0x9b: {  	s6 =	simm.s32 $_size__tile_overlayer_lowered;
	s7 =	simm.s32 $_tile_overlayer_lowered  }
0x9c: {  	s22 =	simm.s32 $0x1BFF;
	s21 =	sshll.u32 s7, $0x1;
	s4 =	sadd.s32 s5, s19  }
0x9d: {  	s8 =	simm.s32 $0x0;
	s20 =	sshll.u32 s6, $0x1;
	s6 =	sadd.s32 s21, s4  }
0x9e: {  	[timem:s8], [sflag:s22] =	dma.local [hbm:s6], s20  }
0x9f: {  	_ =	swait.ge [sflag:s22], s20  }
0xa0: {  	s5 =	ssub.s32 $0x0, s20;
	[sflag:s22] =	ssyncset.done $0x0  }
0xa1: {  	[sflag:s22] =	ssyncadd.s32 s5;
	_ =	sdelay $0x1  }
0xa2: {  	s23 =	simm.s32 $0x1B8B  }
0xa3: {  	_ =	swait.ge [sflag:s23], $0x1  }
0xa4: {  	[sflag:s23] =	ssyncset.done $0x0  }
0xa5: {  	s25 =	simm.s32 $0x1B8E;
	s24 =	sld [smem:$0x3FFE];
	[sflag:s23] =	ssyncadd.s32 $0xFFFFFFFF  }
0xa6: {  	s26 =	simm.s32 $execute0_lowered;
	[smem:$0x3FD2] =	sst s25  }
0xa7: {  	s6 =	sshll.u32 s26, $0x1;
	_ =	strace $0x80000046;
	[dreg:$0x1] =	wrdreg $0xFFFFFFFF  }
0xa8: {  	s28 =	simm.s32 $_size_execute0_lowered;
	s4 =	sadd.s32 s4, s6;
	[dreg:$0x0] =	wrdreg $0x0  }
0xa9: {  	s6 =	sshll.u32 s28, $0x1;
	[dreg:$0x2] =	wrdreg s4  }
0xaa: {  	[dreg:$0x3] =	wrdreg s6  }
0xab: {  	[dreg:$0x4] =	wrdreg $0xC0  }
0xac: {  	_ =	task [dreg:s8], $0x5FFFF  }
0xad: {  	[dreg:$0x1] =	wrdreg $0xFFFFFFFF  }
0xae: {  	[dreg:$0x0] =	wrdreg $0x60  }
0xaf: {  	[dreg:$0x2] =	wrdreg s2  }
0xb0: {  	[dreg:$0x3] =	wrdreg s24  }
0xb1: {  	[dreg:$0x4] =	wrdreg s18  }
0xb2: {  	[dreg:$0x5] =	wrdreg $0x9  }
0xb3: {  	_ =	task.clear_ibuf [dreg:s8], $0x6FFFF;
	_ =	strace $0x90000046  }
0xb4: {  	s29 =	simm.s32 $0x9;
	_ =	strace $0x80000048  }
0xb5: {  	_ =	swait.ge [sflag:s29], $0x1  }
0xb6: {  	[sflag:s29] =	ssyncadd.s32 $0xFFFFFFFF  }
0xb7: {  	_ =	strace $0x90000048  }
0xb8: {  	_ =	sfence  }
0xb9: {  	s30 =	sld [smem:$0x0];
	_ =	sdelay $0x2  }
0xba: {  	s31 =	sshll.u32 s1, $0xD;
	s1 =	sshrl.u32 s1, $0x2  }
0xbb: {  	s3 =	sand.u32 $0x4000, s31;
	s1 =	sadd.s32 s1, s30  }
0xbc: {  	s0 =	sor.u32 s3, s0;
	s1 =	sshll.u32 s1, $0x11  }
0xbd: {  	s0 =	sor.u32 s1, s0  }
0xbe: {  	s0 =	sadd.s32 $0x8F2B, s0  }
0xbf: {  	[sflag:s0] =	ssyncadd.remote.s32 $0x1  }
0xc0: {  	_ =	sfence.sel $0xFFFF  }
0xc1: {  	[dreg:$0x0] =	wrdreg $0xFFFFFFFF;
	(pc) =	sbr.abs _section_cstart, $3  }
0xc2: {  	[dreg:$0x1] =	wrdreg $0xFFFFFFFF  }
0xc3: {  	_ =	task.clear_ibuf [dreg:s8], $0x2FFFF;
	_ =	strace $0x9FFFFFFF  }
0xc4: {  	(tm) =	ssettm $0x7FFFFFFF  }
0xc5: {  	_ =	shalt  }
tec
execute0_lowered:
.L_overlay_start_1:
0x0: {  	(tag) =	ssettag $0x1  }
0x1: {  	s0 =	rddreg [dreg:$0x0]  }
0x2: {  	s1 =	rddreg [dreg:$0x1]  }
0x3: {  	s2 =	rddreg [dreg:$0x2]  }
0x4: {  	s3 =	srdreg.scid;
	s4 =	stileid.u32;
	s5 =	simm.s32 $0x0  }
0x5: {  	s12 =	simm.s32 $0x2;
	s13 =	simm.s32 $0x80;
	s14 =	simm.s32 $0x200  }
0x6: {  	s15 =	simm.s32 $0x400;
	s16 =	simm.s32 $0x280;
	s17 =	simm.s32 $0x800  }
0x7: {  	s18 =	simm.s32 $0x300;
	s20 =	simm.s32 $0x380;
	s29 =	simm.s32 $0x1  }
0x8: {  	s31 =	simm.s32 $0x6400;
	s3 =	sand.u32 $0x1, s3;
	s4 =	sshll.u32 s4, $0x1  }
0x9: {  	[smem:$0x7FF] =	sst s5;
	s5 =	sadd.s32 $0x410, s1;
	s7 =	sadd.s32 $0x430, s1  }
0xa: {  	s8 =	sadd.s32 $0x440, s1;
	s9 =	sadd.s32 $0x450, s1;
	s26 =	ssub.s32 $0x2, s3  }
0xb: {  	s10 =	sor.u32 s3, s4;
	_ =	strace $0x80000047;
	s3 =	sadd.s32 $0x400, s1  }
0xc: {  	s28 =	sshrl.u32 s26, $0x1;
	s6 =	sshll.u32 s10, $0x6;
	s30 =	sshll.u32 s10, $0x8  }
0xd: {  	v0 =	vlaneseq.u32;
	s11 =	ssub.s32 s26, s28;
	s4 =	sadd.s32 s0, s6;
	s6 =	sadd.s32 $0x420, s1  }
0xe: {  	v0 =	vmul.u32 $0x8, v0;
	s10 =	sadd.s32 s2, s30;
	s0 =	simm.s32 $0x0;
	s11 =	smax.u32 s11, $0x1  }
.LBB2_1:
0xf: {  	s1 =	simm.s32 $0x0  }
0x10: {  	[tilespmem:s1], [sflag:$0x2] =	stream.linear.gather [hbm4b:s4+s1], $0x200, $0x38;
	[tilespmem:$0x7C00] =	vst v63  }
0x11: {  	_ =	swait.ge [sflag:s12], $0x200  }
0x12: {  	[sflag:s12] =	ssyncset.done $0x0  }
0x13: {  	s1 =	simm.s32 $0x0;
	[sflag:s12] =	ssyncadd.s32 $0xFFFFFE00  }
0x14: {  	s2 =	simm.s32 $0x40;
	v1 =	vld [tilespmem:s1+$0x0]  }
.LBB2_2:
0x15: {  	_ =	sdelay $0x1  }
0x16: {  	p0 =	sne.s32 s2, $0x7C0  }
.Ltmp0:
0x17: {  	_ = 	snop;
	(pc) =	sbr.rel @p0 .LBB2_2-.Ltmp0, $4  }
0x18: {  	v2 =	vshrl.u32 v1, $0x3  }
0x19: {  	v3 =	vand.u32 $0xFFFFFF80, v1;
	v2 =	vand.u32 $0xF, v2  }
0x1a: {  	s19 =	sshra.s32 s2, $0x2;
	v2 =	vor.u32 v3, v2  }
0x1b: {  	s2 =	sadd.s32 $0x40, s2;
	v1 =	vld [tilespmem:s19+$0x0];
	[tilespmem:s1+$0x200] =	vst v2;
	s1 =	smov.u32 s19  }
0x1c: {  	_ =	sdelay $0x3  }
0x1d: {  	v2 =	vshrl.u32 v1, $0x3  }
0x1e: {  	v1 =	vand.u32 $0xFFFFFF80, v1;
	v2 =	vand.u32 $0xF, v2  }
0x1f: {  	v1 =	vor.u32 v1, v2  }
0x20: {  	[tilespmem:s1+$0x200] =	vst v1  }
0x21: {  	[tilespmem:s15], [sflag:$0x1] =	stream.indirect.gather [hbm4b:s3+s13], $0x8, s14, s13, $0xb8;
	[tilespmem:$0x7C00] =	vst v63  }
0x22: {  	_ = 	snop  }
0x23: {  	[tilespmem:s17], [sflag:$0x1] =	stream.indirect.gather [hbm4b:s3+s13], $0x8, s16, s13, $0xb8;
	[tilespmem:$0x7C00] =	vst v63  }
0x24: {  	s22 =	simm.s32 $0xC00  }
0x25: {  	[tilespmem:s22], [sflag:$0x1] =	stream.indirect.gather [hbm4b:s3+s13], $0x8, s18, s13, $0xb8;
	[tilespmem:$0x7C00] =	vst v63  }
0x26: {  	s23 =	simm.s32 $0x1000  }
0x27: {  	[tilespmem:s23], [sflag:$0x1] =	stream.indirect.gather [hbm4b:s3+s13], $0x8, s20, s13, $0xb8;
	[tilespmem:$0x7C00] =	vst v63  }
0x28: {  	s24 =	simm.s32 $0x1400  }
0x29: {  	[tilespmem:s24], [sflag:$0x1] =	stream.indirect.gather [hbm4b:s5+s13], $0x8, s14, s13, $0xb8;
	[tilespmem:$0x7C00] =	vst v63  }
0x2a: {  	s25 =	simm.s32 $0x1800  }
0x2b: {  	[tilespmem:s25], [sflag:$0x1] =	stream.indirect.gather [hbm4b:s5+s13], $0x8, s16, s13, $0xb8;
	[tilespmem:$0x7C00] =	vst v63  }
0x2c: {  	s26 =	simm.s32 $0x1C00  }
0x2d: {  	[tilespmem:s26], [sflag:$0x1] =	stream.indirect.gather [hbm4b:s5+s13], $0x8, s18, s13, $0xb8;
	[tilespmem:$0x7C00] =	vst v63  }
0x2e: {  	s28 =	simm.s32 $0x2000  }
0x2f: {  	[tilespmem:s28], [sflag:$0x1] =	stream.indirect.gather [hbm4b:s5+s13], $0x8, s20, s13, $0xb8;
	[tilespmem:$0x7C00] =	vst v63  }
0x30: {  	s30 =	simm.s32 $0x2400  }
0x31: {  	[tilespmem:s30], [sflag:$0x1] =	stream.indirect.gather [hbm4b:s6+s13], $0x8, s14, s13, $0xb8;
	[tilespmem:$0x7C00] =	vst v63  }
0x32: {  	s2 =	simm.s32 $0x2800  }
0x33: {  	[tilespmem:s2], [sflag:$0x1] =	stream.indirect.gather [hbm4b:s6+s13], $0x8, s16, s13, $0xb8;
	[tilespmem:$0x7C00] =	vst v63  }
0x34: {  	s19 =	simm.s32 $0x2C00  }
0x35: {  	[tilespmem:s19], [sflag:$0x1] =	stream.indirect.gather [hbm4b:s6+s13], $0x8, s18, s13, $0xb8;
	[tilespmem:$0x7C00] =	vst v63  }
0x36: {  	s21 =	simm.s32 $0x3000  }
0x37: {  	[tilespmem:s21], [sflag:$0x1] =	stream.indirect.gather [hbm4b:s6+s13], $0x8, s20, s13, $0xb8;
	[tilespmem:$0x7C00] =	vst v63  }
0x38: {  	s22 =	simm.s32 $0x3400  }
0x39: {  	[tilespmem:s22], [sflag:$0x1] =	stream.indirect.gather [hbm4b:s7+s13], $0x8, s14, s13, $0xb8;
	[tilespmem:$0x7C00] =	vst v63  }
0x3a: {  	s23 =	simm.s32 $0x3800  }
0x3b: {  	[tilespmem:s23], [sflag:$0x1] =	stream.indirect.gather [hbm4b:s7+s13], $0x8, s16, s13, $0xb8;
	[tilespmem:$0x7C00] =	vst v63  }
0x3c: {  	s24 =	simm.s32 $0x3C00  }
0x3d: {  	[tilespmem:s24], [sflag:$0x1] =	stream.indirect.gather [hbm4b:s7+s13], $0x8, s18, s13, $0xb8;
	[tilespmem:$0x7C00] =	vst v63  }
0x3e: {  	s25 =	simm.s32 $0x4000  }
0x3f: {  	[tilespmem:s25], [sflag:$0x1] =	stream.indirect.gather [hbm4b:s7+s13], $0x8, s20, s13, $0xb8;
	[tilespmem:$0x7C00] =	vst v63  }
0x40: {  	s26 =	simm.s32 $0x4400  }
0x41: {  	[tilespmem:s26], [sflag:$0x1] =	stream.indirect.gather [hbm4b:s8+s13], $0x8, s14, s13, $0xb8;
	[tilespmem:$0x7C00] =	vst v63  }
0x42: {  	s28 =	simm.s32 $0x4800  }
0x43: {  	[tilespmem:s28], [sflag:$0x1] =	stream.indirect.gather [hbm4b:s8+s13], $0x8, s16, s13, $0xb8;
	[tilespmem:$0x7C00] =	vst v63  }
0x44: {  	s30 =	simm.s32 $0x4C00  }
0x45: {  	[tilespmem:s30], [sflag:$0x1] =	stream.indirect.gather [hbm4b:s8+s13], $0x8, s18, s13, $0xb8;
	[tilespmem:$0x7C00] =	vst v63  }
0x46: {  	s2 =	simm.s32 $0x5000  }
0x47: {  	[tilespmem:s2], [sflag:$0x1] =	stream.indirect.gather [hbm4b:s8+s13], $0x8, s20, s13, $0xb8;
	[tilespmem:$0x7C00] =	vst v63  }
0x48: {  	s19 =	simm.s32 $0x5400  }
0x49: {  	[tilespmem:s19], [sflag:$0x1] =	stream.indirect.gather [hbm4b:s9+s13], $0x8, s14, s13, $0xb8;
	[tilespmem:$0x7C00] =	vst v63  }
0x4a: {  	s21 =	simm.s32 $0x5800  }
0x4b: {  	[tilespmem:s21], [sflag:$0x1] =	stream.indirect.gather [hbm4b:s9+s13], $0x8, s16, s13, $0xb8;
	[tilespmem:$0x7C00] =	vst v63  }
0x4c: {  	s22 =	simm.s32 $0x5C00  }
0x4d: {  	[tilespmem:s22], [sflag:$0x1] =	stream.indirect.gather [hbm4b:s9+s13], $0x8, s18, s13, $0xb8;
	[tilespmem:$0x7C00] =	vst v63  }
0x4e: {  	s23 =	simm.s32 $0x6000  }
0x4f: {  	[tilespmem:s23], [sflag:$0x1] =	stream.indirect.gather [hbm4b:s9+s13], $0x8, s20, s13, $0xb8;
	[tilespmem:$0x7C00] =	vst v63  }
0x50: {  	_ =	swait.ge [sflag:s29], $0x400  }
0x51: {  	[sflag:s29] =	ssyncset.done $0x0  }
0x52: {  	[sflag:s29] =	ssyncadd.s32 $0xFFFFFC00  }
0x53: {  	_ =	swait.ge [sflag:s29], $0x400  }
0x54: {  	[sflag:s29] =	ssyncset.done $0x0  }
0x55: {  	[sflag:s29] =	ssyncadd.s32 $0xFFFFFC00  }
0x56: {  	_ =	swait.ge [sflag:s29], $0x400  }
0x57: {  	[sflag:s29] =	ssyncset.done $0x0  }
0x58: {  	[sflag:s29] =	ssyncadd.s32 $0xFFFFFC00  }
0x59: {  	_ =	swait.ge [sflag:s29], $0x400  }
0x5a: {  	[sflag:s29] =	ssyncset.done $0x0  }
0x5b: {  	[sflag:s29] =	ssyncadd.s32 $0xFFFFFC00  }
0x5c: {  	_ =	swait.ge [sflag:s29], $0x400  }
0x5d: {  	[sflag:s29] =	ssyncset.done $0x0  }
0x5e: {  	[sflag:s29] =	ssyncadd.s32 $0xFFFFFC00  }
0x5f: {  	_ =	swait.ge [sflag:s29], $0x400  }
0x60: {  	[sflag:s29] =	ssyncset.done $0x0  }
0x61: {  	[sflag:s29] =	ssyncadd.s32 $0xFFFFFC00  }
0x62: {  	_ =	swait.ge [sflag:s29], $0x400  }
0x63: {  	[sflag:s29] =	ssyncset.done $0x0  }
0x64: {  	[sflag:s29] =	ssyncadd.s32 $0xFFFFFC00  }
0x65: {  	_ =	swait.ge [sflag:s29], $0x400  }
0x66: {  	[sflag:s29] =	ssyncset.done $0x0  }
0x67: {  	[sflag:s29] =	ssyncadd.s32 $0xFFFFFC00  }
0x68: {  	_ =	swait.ge [sflag:s29], $0x400  }
0x69: {  	[sflag:s29] =	ssyncset.done $0x0  }
0x6a: {  	[sflag:s29] =	ssyncadd.s32 $0xFFFFFC00  }
0x6b: {  	_ =	swait.ge [sflag:s29], $0x400  }
0x6c: {  	[sflag:s29] =	ssyncset.done $0x0  }
0x6d: {  	[sflag:s29] =	ssyncadd.s32 $0xFFFFFC00  }
0x6e: {  	_ =	swait.ge [sflag:s29], $0x400  }
0x6f: {  	[sflag:s29] =	ssyncset.done $0x0  }
0x70: {  	[sflag:s29] =	ssyncadd.s32 $0xFFFFFC00  }
0x71: {  	_ =	swait.ge [sflag:s29], $0x400  }
0x72: {  	[sflag:s29] =	ssyncset.done $0x0  }
0x73: {  	[sflag:s29] =	ssyncadd.s32 $0xFFFFFC00  }
0x74: {  	_ =	swait.ge [sflag:s29], $0x400  }
0x75: {  	[sflag:s29] =	ssyncset.done $0x0  }
0x76: {  	[sflag:s29] =	ssyncadd.s32 $0xFFFFFC00  }
0x77: {  	_ =	swait.ge [sflag:s29], $0x400  }
0x78: {  	[sflag:s29] =	ssyncset.done $0x0  }
0x79: {  	[sflag:s29] =	ssyncadd.s32 $0xFFFFFC00  }
0x7a: {  	_ =	swait.ge [sflag:s29], $0x400  }
0x7b: {  	[sflag:s29] =	ssyncset.done $0x0  }
0x7c: {  	[sflag:s29] =	ssyncadd.s32 $0xFFFFFC00  }
0x7d: {  	_ =	swait.ge [sflag:s29], $0x400  }
0x7e: {  	[sflag:s29] =	ssyncset.done $0x0  }
0x7f: {  	[sflag:s29] =	ssyncadd.s32 $0xFFFFFC00  }
0x80: {  	_ =	swait.ge [sflag:s29], $0x400  }
0x81: {  	[sflag:s29] =	ssyncset.done $0x0  }
0x82: {  	[sflag:s29] =	ssyncadd.s32 $0xFFFFFC00  }
0x83: {  	_ =	swait.ge [sflag:s29], $0x400  }
0x84: {  	[sflag:s29] =	ssyncset.done $0x0  }
0x85: {  	[sflag:s29] =	ssyncadd.s32 $0xFFFFFC00  }
0x86: {  	_ =	swait.ge [sflag:s29], $0x400  }
0x87: {  	[sflag:s29] =	ssyncset.done $0x0  }
0x88: {  	[sflag:s29] =	ssyncadd.s32 $0xFFFFFC00  }
0x89: {  	_ =	swait.ge [sflag:s29], $0x400  }
0x8a: {  	[sflag:s29] =	ssyncset.done $0x0  }
0x8b: {  	[sflag:s29] =	ssyncadd.s32 $0xFFFFFC00  }
0x8c: {  	_ =	swait.ge [sflag:s29], $0x400  }
0x8d: {  	[sflag:s29] =	ssyncset.done $0x0  }
0x8e: {  	[sflag:s29] =	ssyncadd.s32 $0xFFFFFC00  }
0x8f: {  	_ =	swait.ge [sflag:s29], $0x400  }
0x90: {  	[sflag:s29] =	ssyncset.done $0x0  }
0x91: {  	[sflag:s29] =	ssyncadd.s32 $0xFFFFFC00  }
0x92: {  	_ =	swait.ge [sflag:s29], $0x400  }
0x93: {  	[sflag:s29] =	ssyncset.done $0x0  }
0x94: {  	[sflag:s29] =	ssyncadd.s32 $0xFFFFFC00  }
0x95: {  	s24 =	simm.s32 $0x0;
	s2 =	simm.s32 $0x0;
	_ =	swait.ge [sflag:s29], $0x400  }
0x96: {  	s25 =	sand.u32 $0xFFFFFF80, s2;
	s19 =	sand.u32 $0x70, s24;
	[sflag:s29] =	ssyncset.done $0x0  }
0x97: {  	s1 =	sor.u32 s19, s25;
	[sflag:s29] =	ssyncadd.s32 $0xFFFFFC00  }
0x98: {  	v1 =	vld [tilespmem:s1+$0x0];
	_ =	sdelay $0x1  }
0x99: {  	s26 =	sor.u32 $0x600, s1  }
0x9a: {  	s21 =	sor.u32 $0x800, s1;
	v2 =	vmov s26  }
0x9b: {  	v3 =	vmov s21;
	v2 =	vshll.u32 v2, $0x3  }
0x9c: {  	s28 =	sor.u32 $0xA00, s1;
	v3 =	vshll.u32 v3, $0x3;
	v2 =	vor.u32 v0, v2;
	v1 =	vand.u32 $0x7, v1  }
0x9d: {  	v4 =	vmov s28;
	v3 =	vor.u32 v0, v3;
	v2 =	vor.u32 v2, v1  }
0x9e: {  	v4 =	vshll.u32 v4, $0x3;
	v3 =	vor.u32 v3, v1  }
0x9f: {  	v4 =	vor.u32 v0, v4  }
0xa0: {  	v4 =	vor.u32 v4, v1;
	_ =	sdelay $0x1  }
0xa1: {  	v8 =	vld.idx.msk [tilespmem:v2+s15+$0x0], $0xffff  }
0xa2: {  	v9 =	vld.idx.msk [tilespmem:v3+s15+$0x0], $0xffff;
	_ =	sdelay $0x1  }
0xa3: {  	v7 =	vld.idx.msk [tilespmem:v4+s15+$0x0], $0xffff;
	_ =	sdelay $0x2  }
0xa4: {  	v6 =	vmul.f32 v8, v8;
	v10 =	vmul.f32 v9, v9;
	_ =	sdelay $0x1  }
0xa5: {  	v14 =	vmul.f32 v7, v7;
	v2 =	vadd.f32 v10, v6;
	_ =	sdelay $0x1  }
0xa6: {  	v2 =	vadd.f32 v14, v2  }
0xa7: {  	s30 =	sor.u32 $0x200, s1  }
0xa8: {  	v4 =	vmov s30;
	v15 =	vmax.f32 v2, $9.999999740e-05  }
0xa9: {  	v4 =	vshll.u32 v4, $0x3;
	v2 =	vmov s1;
	s1 =	sor.u32 $0x400, s1;
	v3 =	vmul.f32 $2.755732000e-07, v15  }
0xaa: {  	v4 =	vor.u32 v0, v4;
	v2 =	vshll.u32 v2, $0x3;
	v5 =	vmov s1  }
0xab: {  	s2 =	simm.s32 $0x10;
	s21 =	simm.s32 $0x10;
	v11 =	vmul.f32 $2.755731880e-06, v15;
	v5 =	vshll.u32 v5, $0x3;
	v3 =	vadd.f32 $-2.480158760e-05, v3  }
0xac: {  	s22 =	sand.u32 $0x70, s2;
	v13 =	vor.u32 v4, v1;
	s1 =	sand.u32 $0xFFFFFF80, s21;
	v2 =	vor.u32 v0, v2;
	v5 =	vor.u32 v0, v5  }
0xad: {  	s1 =	sor.u32 s22, s1;
	v11 =	vadd.f32 $-1.984127010e-04, v11;
	v2 =	vor.u32 v2, v1;
	v3 =	vmul.f32 v3, v15  }
0xae: {  	s23 =	sor.u32 $0x600, s1;
	v5 =	vor.u32 v5, v1  }
0xaf: {  	s24 =	sor.u32 $0x800, s1;
	s25 =	sor.u32 $0x400, s1;
	s26 =	sor.u32 $0xA00, s1;
	v12 =	vmov s23;
	v1 =	vmul.f32 v11, v15;
	v3 =	vadd.f32 $1.388888920e-03, v3  }
0xb0: {  	v4 =	vmov s24;
	v17 =	vmov s25;
	v19 =	vmov s26  }
0xb1: {  	v21 =	vld.idx.msk [tilespmem:v13+s15+$0x0], $0xffff;
	s23 =	sor.u32 $0x200, s1;
	v11 =	vmov s1;
	v1 =	vadd.f32 $8.333333770e-03, v1;
	v3 =	vmul.f32 v3, v15  }
0xb2: {  	v16 =	vmov s23;
	v12 =	vshll.u32 v12, $0x3;
	v18 =	vshll.u32 v4, $0x3;
	v20 =	vld.idx.msk [tilespmem:v2+s15+$0x0], $0xffff  }
0xb3: {  	v4 =	vshll.u32 v11, $0x3;
	v11 =	vld.idx.msk [tilespmem:v5+s15+$0x0], $0xffff;
	v2 =	vmul.f32 v1, v15;
	v3 =	vadd.f32 $-4.166666790e-02, v3  }
0xb4: {  	s28 =	simm.s32 $0x0;
	v16 =	vshll.u32 v16, $0x3;
	v1 =	vor.u32 v0, v4;
	v4 =	vor.u32 v0, v12  }
0xb5: {  	s21 =	sand.u32 $0x3FFFFE00, s28;
	v5 =	vor.u32 v0, v18;
	v13 =	vadd.f32 $-1.666666720e-01, v2;
	v18 =	vmul.f32 v3, v15  }
0xb6: {  	s21 =	sor.u32 s19, s21;
	v12 =	vsub.f32 v6, v15;
	v2 =	vor.u32 v0, v16;
	v16 =	vshll.u32 v19, $0x3  }
0xb7: {  	s30 =	simm.s32 $0x40;
	[tilespmem:s21+$0x6D80] =	vst v21;
	v3 =	vshll.u32 v17, $0x3;
	v17 =	vmul.f32 v13, v15;
	v13 =	vadd.f32 $5.000000000e-01, v18  }
0xb8: {  	s19 =	sand.u32 $0x3FFFFE00, s30;
	v6 =	vor.u32 v0, v16;
	[tilespmem:s21+$0x7580] =	vst v11;
	v11 =	vsub.f32 v10, v15;
	v10 =	vsub.f32 v14, v15  }
0xb9: {  	s19 =	sor.u32 s22, s19;
	s22 =	simm.s32 $0x2;
	[tilespmem:s21+$0x6580] =	vst v20;
	v14 =	vadd.f32 $1.000000000e+00, v17;
	v16 =	vmul.f32 v13, v8;
	v15 =	vmul.f32 v13, v9  }
.LBB2_4:
0xba: {  	p0 =	sne.s32 s22, $0x1F  }
0xbb: {  	s2 =	sadd.s32 $0x10, s2;
	v8 =	vmul.f32 v14, v8;
	v17 =	vmul.f32 v14, v7;
	s23 =	smov.u32 s22;
	s22 =	sadd.s32 $0x1, s22  }
0xbc: {  	v12 =	vmul.f32 v13, v12;
	v18 =	vmul.f32 v16, v9  }
0xbd: {  	v16 =	vmul.f32 v16, v7;
	v7 =	vmul.f32 v15, v7  }
0xbe: {  	v9 =	vmul.f32 v14, v9;
	v12 =	vadd.f32 $1.000000000e+00, v12;
	v14 =	vsub.f32 v18, v17  }
0xbf: {  	v11 =	vmul.f32 v13, v11;
	v15 =	vadd.f32 v18, v17;
	v17 =	vsub.f32 v7, v8  }
0xc0: {  	v10 =	vmul.f32 v13, v10;
	v13 =	vadd.f32 v16, v9;
	v7 =	vadd.f32 v7, v8;
	[tilespmem:s21+$0x6400] =	vst v12  }
0xc1: {  	v8 =	vadd.f32 $1.000000000e+00, v11;
	v9 =	vsub.f32 v16, v9;
	[tilespmem:s21+$0x6C00] =	vst v15  }
0xc2: {  	s25 =	sshll.u32 s23, $0x4;
	v10 =	vadd.f32 $1.000000000e+00, v10;
	[tilespmem:s21+$0x6500] =	vst v13  }
0xc3: {  	s24 =	sand.u32 $0x70, s2;
	s25 =	sand.u32 $0xFFFFFF80, s25;
	[tilespmem:s21+$0x6C80] =	vst v8  }
0xc4: {  	s25 =	sor.u32 s24, s25;
	[tilespmem:s21+$0x6480] =	vst v14  }
0xc5: {  	s26 =	sor.u32 $0x600, s25;
	s28 =	sor.u32 $0x800, s25;
	s30 =	sor.u32 $0xA00, s25;
	v8 =	vmov s25;
	[tilespmem:s21+$0x7500] =	vst v10  }
0xc6: {  	v11 =	vmov s28;
	v10 =	vmov s26;
	[tilespmem:s21+$0x6D00] =	vst v17  }
0xc7: {  	s28 =	sor.u32 $0x400, s25;
	v11 =	vshll.u32 v11, $0x3;
	s26 =	sor.u32 $0x200, s25;
	v10 =	vshll.u32 v10, $0x3;
	[tilespmem:s21+$0x7480] =	vst v7  }
0xc8: {  	v7 =	vshll.u32 v8, $0x3;
	v8 =	vmov s26;
	[tilespmem:s21+$0x7400] =	vst v9;
	s21 =	smov.u32 s19  }
0xc9: {  	v7 =	vor.u32 v0, v7;
	v8 =	vshll.u32 v8, $0x3;
	v9 =	vmov s28;
	v12 =	vld [tilespmem:s1+$0x0];
	s1 =	smov.u32 s25  }
0xca: {  	v11 =	vor.u32 v0, v11;
	v10 =	vor.u32 v0, v10  }
0xcb: {  	v8 =	vor.u32 v0, v8;
	v9 =	vshll.u32 v9, $0x3;
	_ =	sdelay $0x2  }
0xcc: {  	v13 =	vor.u32 v0, v3;
	v3 =	vmov v9;
	v12 =	vand.u32 $0x7, v12  }
0xcd: {  	v9 =	vor.u32 v4, v12;
	v14 =	vor.u32 v5, v12;
	v15 =	vor.u32 v6, v12;
	v4 =	vmovc v10  }
0xce: {  	v6 =	vmov s30;
	v16 =	vor.u32 v1, v12;
	v13 =	vor.u32 v13, v12;
	v1 =	vmovc v7;
	v5 =	vmovc v11  }
0xcf: {  	v17 =	vor.u32 v2, v12;
	v2 =	vmov v8;
	v6 =	vshll.u32 v6, $0x3;
	_ =	sdelay $0x1  }
0xd0: {  	v6 =	vor.u32 v0, v6  }
0xd1: {  	s19 =	sshll.u32 s23, $0x6;
	v8 =	vld.idx.msk [tilespmem:v9+s15+$0x0], $0xffff  }
0xd2: {  	s19 =	sand.u32 $0x3FFFFE00, s19;
	v9 =	vld.idx.msk [tilespmem:v14+s15+$0x0], $0xffff  }
0xd3: {  	s19 =	sor.u32 s24, s19  }
0xd4: {  	v7 =	vld.idx.msk [tilespmem:v15+s15+$0x0], $0xffff;
	_ =	sdelay $0x2  }
0xd5: {  	v10 =	vmul.f32 v8, v8  }
0xd6: {  	v11 =	vmul.f32 v9, v9;
	_ =	sdelay $0x1  }
0xd7: {  	v12 =	vadd.f32 v11, v10;
	v14 =	vmul.f32 v7, v7;
	_ =	sdelay $0x1  }
0xd8: {  	v12 =	vadd.f32 v14, v12;
	_ =	sdelay $0x1  }
0xd9: {  	v15 =	vmax.f32 v12, $9.999999740e-05  }
0xda: {  	v18 =	vmul.f32 $2.755731880e-06, v15;
	v19 =	vmul.f32 $2.755732000e-07, v15;
	v12 =	vsub.f32 v10, v15  }
0xdb: {  	v11 =	vsub.f32 v11, v15;
	v10 =	vsub.f32 v14, v15  }
0xdc: {  	v14 =	vadd.f32 $-1.984127010e-04, v18;
	v18 =	vadd.f32 $-2.480158760e-05, v19;
	_ =	sdelay $0x1  }
0xdd: {  	v14 =	vmul.f32 v14, v15;
	v18 =	vmul.f32 v18, v15;
	v13 =	vld.idx.msk [tilespmem:v13+s15+$0x0], $0xffff  }
0xde: {  	v16 =	vld.idx.msk [tilespmem:v16+s15+$0x0], $0xffff  }
0xdf: {  	v14 =	vadd.f32 $8.333333770e-03, v14;
	v18 =	vadd.f32 $1.388888920e-03, v18;
	_ =	sdelay $0x1  }
0xe0: {  	v14 =	vmul.f32 v14, v15;
	v18 =	vmul.f32 v18, v15  }
0xe1: {  	v17 =	vld.idx.msk [tilespmem:v17+s15+$0x0], $0xffff  }
0xe2: {  	v14 =	vadd.f32 $-1.666666720e-01, v14;
	v18 =	vadd.f32 $-4.166666790e-02, v18;
	[tilespmem:s21+$0x7580] =	vst v13  }
0xe3: {  	[tilespmem:s21+$0x6580] =	vst v16  }
.Ltmp1:
0xe4: {  	v13 =	vmul.f32 v14, v15;
	v15 =	vmul.f32 v18, v15;
	(pc) =	sbr.rel @p0 .LBB2_4-.Ltmp1, $4  }
0xe5: {  	_ = 	snop  }
0xe6: {  	v14 =	vadd.f32 $1.000000000e+00, v13;
	v13 =	vadd.f32 $5.000000000e-01, v15  }
0xe7: {  	[tilespmem:s21+$0x6D80] =	vst v17  }
0xe8: {  	v16 =	vmul.f32 v13, v8;
	v15 =	vmul.f32 v13, v9  }
0xe9: {  	v12 =	vmul.f32 v13, v12  }
0xea: {  	v11 =	vmul.f32 v13, v11  }
0xeb: {  	v10 =	vmul.f32 v13, v10;
	v12 =	vadd.f32 $1.000000000e+00, v12  }
0xec: {  	v17 =	vmul.f32 v14, v7;
	v18 =	vmul.f32 v16, v9;
	v11 =	vadd.f32 $1.000000000e+00, v11  }
0xed: {  	v44 =	vmul.f32 v14, v9;
	v43 =	vmul.f32 v16, v7;
	v10 =	vadd.f32 $1.000000000e+00, v10;
	[tilespmem:s21+$0x6400] =	vst v12  }
0xee: {  	v19 =	vadd.f32 v18, v17;
	[tilespmem:s21+$0x6C80] =	vst v11  }
0xef: {  	v8 =	vmul.f32 v14, v8;
	v46 =	vmul.f32 v15, v7;
	v45 =	vadd.f32 v43, v44;
	[tilespmem:s21+$0x7500] =	vst v10  }
0xf0: {  	v47 =	vsub.f32 v18, v17;
	[tilespmem:s21+$0x6C00] =	vst v19  }
0xf1: {  	v48 =	vsub.f32 v46, v8;
	[tilespmem:s21+$0x6500] =	vst v45  }
0xf2: {  	v7 =	vadd.f32 v46, v8;
	[tilespmem:s21+$0x6480] =	vst v47  }
0xf3: {  	v49 =	vsub.f32 v43, v44;
	[tilespmem:s21+$0x6D00] =	vst v48  }
0xf4: {  	[tilespmem:s21+$0x7480] =	vst v7  }
0xf5: {  	[tilespmem:s21+$0x7400] =	vst v49  }
0xf6: {  	v7 =	vld [tilespmem:s1+$0x0];
	_ =	sdelay $0x4  }
0xf7: {  	v7 =	vand.u32 $0x7, v7  }
0xf8: {  	v4 =	vor.u32 v4, v7  }
0xf9: {  	v5 =	vor.u32 v5, v7;
	_ =	sdelay $0x1  }
0xfa: {  	v6 =	vor.u32 v6, v7;
	_ =	sdelay $0x1  }
0xfb: {  	v4 =	vld.idx.msk [tilespmem:v4+s15+$0x0], $0xffff  }
0xfc: {  	v5 =	vld.idx.msk [tilespmem:v5+s15+$0x0], $0xffff;
	_ =	sdelay $0x1  }
0xfd: {  	v6 =	vld.idx.msk [tilespmem:v6+s15+$0x0], $0xffff;
	_ =	sdelay $0x2  }
0xfe: {  	v50 =	vmul.f32 v4, v4;
	v51 =	vmul.f32 v5, v5;
	_ =	sdelay $0x1  }
0xff: {  	v53 =	vmul.f32 v6, v6;
	v52 =	vadd.f32 v51, v50;
	_ =	sdelay $0x1  }
0x100: {  	v10 =	vadd.f32 v53, v52;
	_ =	sdelay $0x1  }
0x101: {  	v10 =	vmax.f32 v10, $9.999999740e-05  }
0x102: {  	v54 =	vmul.f32 $2.755732000e-07, v10;
	_ =	sdelay $0x1  }
0x103: {  	v12 =	vadd.f32 $-2.480158760e-05, v54  }
0x104: {  	v55 =	vmul.f32 $2.755731880e-06, v10  }
0x105: {  	v12 =	vmul.f32 v12, v10  }
0x106: {  	v13 =	vadd.f32 $-1.984127010e-04, v55  }
0x107: {  	v12 =	vadd.f32 $1.388888920e-03, v12  }
0x108: {  	v3 =	vor.u32 v0, v3;
	v2 =	vor.u32 v2, v7;
	v13 =	vmul.f32 v13, v10  }
0x109: {  	v3 =	vor.u32 v3, v7;
	v12 =	vmul.f32 v12, v10  }
0x10a: {  	v1 =	vor.u32 v1, v7;
	v13 =	vadd.f32 $8.333333770e-03, v13  }
0x10b: {  	v12 =	vadd.f32 $-4.166666790e-02, v12  }
0x10c: {  	v56 =	vmul.f32 v13, v10  }
0x10d: {  	v2 =	vld.idx.msk [tilespmem:v2+s15+$0x0], $0xffff;
	v12 =	vmul.f32 v12, v10  }
0x10e: {  	v3 =	vld.idx.msk [tilespmem:v3+s15+$0x0], $0xffff;
	v7 =	vadd.f32 $-1.666666720e-01, v56  }
0x10f: {  	v1 =	vld.idx.msk [tilespmem:v1+s15+$0x0], $0xffff;
	v8 =	vsub.f32 v50, v10;
	v12 =	vadd.f32 $5.000000000e-01, v12  }
0x110: {  	v9 =	vsub.f32 v51, v10;
	v7 =	vmul.f32 v7, v10  }
0x111: {  	v10 =	vsub.f32 v53, v10;
	v8 =	vmul.f32 v12, v8  }
0x112: {  	[tilespmem:s19+$0x6D80] =	vst v2;
	v7 =	vadd.f32 $1.000000000e+00, v7;
	v57 =	vmul.f32 v12, v4;
	v2 =	vmul.f32 v12, v9  }
0x113: {  	[tilespmem:s19+$0x7580] =	vst v3;
	v62 =	vmul.f32 v12, v10;
	v8 =	vadd.f32 $1.000000000e+00, v8  }
0x114: {  	[tilespmem:s19+$0x6580] =	vst v1;
	v3 =	vmul.f32 v7, v6;
	v58 =	vmul.f32 v57, v5;
	v2 =	vadd.f32 $1.000000000e+00, v2  }
0x115: {  	v59 =	vmul.f32 v7, v5;
	v1 =	vmul.f32 v57, v6;
	v63 =	vadd.f32 $1.000000000e+00, v62;
	[tilespmem:s19+$0x6400] =	vst v8  }
0x116: {  	v5 =	vmul.f32 v12, v5;
	v60 =	vadd.f32 v58, v3;
	[tilespmem:s19+$0x6C80] =	vst v2  }
0x117: {  	v61 =	vadd.f32 v1, v59;
	[tilespmem:s19+$0x7500] =	vst v63  }
0x118: {  	v4 =	vmul.f32 v7, v4;
	v5 =	vmul.f32 v5, v6;
	v3 =	vsub.f32 v58, v3;
	[tilespmem:s19+$0x6C00] =	vst v60  }
0x119: {  	v1 =	vsub.f32 v1, v59;
	[tilespmem:s19+$0x6500] =	vst v61  }
0x11a: {  	v2 =	vsub.f32 v5, v4;
	[tilespmem:s19+$0x6480] =	vst v3  }
0x11b: {  	s0 =	sadd.s32 $0x1, s0;
	v3 =	vadd.f32 v5, v4;
	[tilespmem:s19+$0x7400] =	vst v1  }
0x11c: {  	p0 =	sne.s32 s0, s11;
	[tilespmem:s19+$0x6D00] =	vst v2  }
.Ltmp2:
0x11d: {  	s30 =	simm.s32 $0x10000;
	[tilespmem:s19+$0x7480] =	vst v3;
	(pc) =	sbr.rel @p0 .LBB2_1-.Ltmp2, $4  }
0x11e: {  	[hbm4b:s10+s17] =	stream.strided.scatter [tilespmem:s31], [sflag:$0x2], $0x1800, s30, s17, $0x38;
	[tilespmem:$0x7C00] =	vst v63  }
0x11f: {  	_ =	swait.ge [sflag:s12], $0x1800  }
0x120: {  	[sflag:s12] =	ssyncset.done $0x0  }
0x121: {  	[sflag:s12] =	ssyncadd.s32 $0xFFFFE800  }
0x122: {  	_ =	sfence.sel $0x180000  }
0x123: {  	[bflag:$0x0] =	sbarrier.arrive $0xFFFF  }
0x124: {  	_ =	strace $0x90000047  }
0x125: {  	s0 =	stileid.u32;
	[bflag:$0x2] =	sbarrier.arrive $0xFFFF  }
0x126: {  	p0 =	sne.s32 s0, $0x0;
	s0 =	rddreg [dreg:$0x3]  }
0x127: {  	s0 =	sadd.s32 @!p0 $0x100000, s0  }
0x128: {  	[sflag:s0] =	ssyncadd.tile.s32 @!p0 $0x1;
	_ =	shalt  }
.Lfunc_end2:
_tile_overlayer_lowered:
.L_overlay_start_2:
0x129: {  	(tag) =	ssettag $0x2  }
0x12a: {  	s0 =	rddreg [dreg:$0x0];
	s2 =	stileid.u32  }
0x12b: {  	s1 =	rddreg [dreg:$0x1];
	p0 =	sne.s32 s2, $0x0  }
0x12c: {  	s3 =	rddreg [dreg:$0x2];
	[bflag:$0x3] =	sbarrier.arrive $0xFFFF;
	s2 =	simm.s32 @!p0 $0x1C02  }
0x12d: {  	[timem:s3], [sflag:s2] =	dma.local @!p0 [hbm:s0], s1  }
0x12e: {  	s0 =	simm.s32 @!p0 $0x2  }
0x12f: {  	_ =	swait.ge @!p0 [sflag:s0], s1  }
0x130: {  	s1 =	ssub.s32 @!p0 $0x0, s1;
	[sflag:s0] =	ssyncset.done @!p0 $0x0  }
0x131: {  	[sflag:s0] =	ssyncadd.s32 @!p0 s1  }
0x132: {  	[bflag:$0x3] =	sbarrier.arrive $0xFFFF  }
0x133: {  	_ =	shalt  }

</sc_bundles>
